<compile_context>
chip_gen: v7x
topology: tpu7x:2x2x1
jax: 0.10.2.dev20260603
libtpu: 0.0.44.dev20260713+nightly
codegen_flags: <defaults>
</compile_context>

<pallas_src>
import functools

import jax
import jax.numpy as jnp
from jax import lax
from jax.experimental import pallas as pl
from jax.experimental.pallas import tpu as pltpu
from jax.experimental.pallas import tpu_sc as plsc

N_NODES = 10000
D = 128
N_EDGES = 320000

_INFO = plsc.get_sparse_core_info()
NC = _INFO.num_cores
NS = _INFO.num_subcores
NW = NC * NS
NL = _INFO.num_lanes

CHUNK = 128
N_CHUNKS = N_EDGES // CHUNK
NCH = N_CHUNKS // NW
N_EXTRA = N_CHUNKS - NCH * NW
NROW = 3
NIDX = 6
OUTER = NCH // NIDX
SLAB = 624
SLAB_REM = N_NODES - NS * SLAB


def _sc_aggregate(x, edge_index):
    mesh = plsc.VectorSubcoreMesh(core_axis_name="c", subcore_axis_name="s")

    @functools.partial(
        pl.kernel,
        out_type=jax.ShapeDtypeStruct((NC, N_NODES, D), jnp.float32),
        mesh=mesh,
        scratch_types=[
            pltpu.VMEM_SHARED((N_NODES, D), jnp.float32),
            pltpu.VMEM((NIDX, 2, CHUNK), jnp.int32),
            pltpu.VMEM((NROW, CHUNK, D), jnp.float32),
        ]
        + [pltpu.SemaphoreType.DMA] * (2 * NROW + NIDX),
    )
    def k(x_hbm, e_hbm, out_hbm, acc, ibufs, bufs, *sems):
        gs = sems[:NROW]
        ss = sems[NROW:2 * NROW]
        isem = sems[2 * NROW:]
        c = lax.axis_index("c")
        s = lax.axis_index("s")
        wid = s * NC + c

        cb0 = wid * NCH

        def idx_load(chunk, q):
            pltpu.async_copy(e_hbm.at[0, pl.ds(chunk * CHUNK, CHUNK)],
                             ibufs.at[q, 1], isem[q])
            pltpu.async_copy(e_hbm.at[1, pl.ds(chunk * CHUNK, CHUNK)],
                             ibufs.at[q, 0], isem[q])

        def idx_wait(q):
            pltpu.make_async_copy(
                e_hbm.at[pl.ds(0, 2), pl.ds(0, CHUNK)], ibufs.at[q],
                isem[q]).wait()

        def gather_wait(b):
            pltpu.make_async_copy(
                x_hbm.at[ibufs.at[0, 0]], bufs.at[b], gs[b]).wait()

        def scatter_wait(b):
            pltpu.make_async_copy(
                bufs.at[b], acc.at[ibufs.at[0, 1]], ss[b]).wait()

        for q in range(NIDX):
            idx_load(cb0 + q, q)

        zv = jnp.zeros((NL,), jnp.float32)

        def zrow(r, carry):
            for l in range(D // NL):
                bufs[NROW - 1, r, pl.ds(l * NL, NL)] = zv
            return carry

        lax.fori_loop(0, CHUNK, zrow, 0)
        ZREM = SLAB - (SLAB // CHUNK) * CHUNK
        for kk in range(SLAB // CHUNK):
            pltpu.async_copy(bufs.at[NROW - 1],
                             acc.at[pl.ds(s * SLAB + kk * CHUNK, CHUNK)],
                             ss[0])
        pltpu.async_copy(bufs.at[NROW - 1, pl.ds(0, ZREM)],
                         acc.at[pl.ds(s * SLAB + SLAB - ZREM, ZREM)], ss[0])

        @pl.when(s == NS - 1)
        def _():
            pltpu.async_copy(bufs.at[NROW - 1, pl.ds(0, SLAB_REM)],
                             acc.at[pl.ds(NS * SLAB, SLAB_REM)], ss[0])

        for kk in range(SLAB // CHUNK):
            pltpu.make_async_copy(
                bufs.at[NROW - 1], acc.at[pl.ds(s * SLAB, CHUNK)],
                ss[0]).wait()
        pltpu.make_async_copy(
            bufs.at[NROW - 1, pl.ds(0, ZREM)], acc.at[pl.ds(0, ZREM)],
            ss[0]).wait()

        @pl.when(s == NS - 1)
        def _():
            pltpu.make_async_copy(
                bufs.at[NROW - 1, pl.ds(0, SLAB_REM)],
                acc.at[pl.ds(0, SLAB_REM)], ss[0]).wait()

        for b in range(NROW):
            idx_wait(b)
            pltpu.async_copy(x_hbm.at[ibufs.at[b, 0]], bufs.at[b], gs[b])

        plsc.subcore_barrier()

        def outer(j, carry):
            base = j * NIDX
            for q in range(NIDX):
                i = base + q
                b = q % NROW
                gather_wait(b)
                pltpu.async_copy(bufs.at[b], acc.at[ibufs.at[q, 1]], ss[b],
                                 add=True)
                scatter_wait(b)

                @pl.when(j < OUTER - 1)
                def _():
                    idx_load(cb0 + i + NIDX, q)

                def fire_next_gather():
                    qn = (q + NROW) % NIDX
                    idx_wait(qn)
                    pltpu.async_copy(
                        x_hbm.at[ibufs.at[qn, 0]], bufs.at[b], gs[b])

                if q < NIDX - NROW:
                    fire_next_gather()
                else:
                    pl.when(j < OUTER - 1)(fire_next_gather)
            return carry

        lax.fori_loop(0, OUTER, outer, 0)

        @pl.when(wid < N_EXTRA)
        def _():
            cb = NW * NCH + wid
            idx_load(cb, 0)
            idx_wait(0)
            pltpu.async_copy(x_hbm.at[ibufs.at[0, 0]], bufs.at[0], gs[0]).wait()
            pltpu.sync_copy(bufs.at[0], acc.at[ibufs.at[0, 1]], add=True)

        plsc.subcore_barrier()
        pltpu.sync_copy(acc.at[pl.ds(s * SLAB, SLAB)],
                        out_hbm.at[c, pl.ds(s * SLAB, SLAB)])

        @pl.when(s == NS - 1)
        def _():
            pltpu.sync_copy(acc.at[pl.ds(NS * SLAB, SLAB_REM)],
                            out_hbm.at[c, pl.ds(NS * SLAB, SLAB_REM)])

    return k(x, edge_index)


_BLK = 2000


def _tc_body(p_ref, w_ref, b_ref, o_ref):
    agg = p_ref[0] + p_ref[1]
    o_ref[...] = (
        jnp.dot(agg, w_ref[...], preferred_element_type=jnp.float32) + b_ref[...]
    )


def _tc_project(partials, W, b2d):
    return pl.pallas_call(
        _tc_body,
        out_shape=jax.ShapeDtypeStruct((N_NODES, D), jnp.float32),
        grid=(N_NODES // _BLK,),
        in_specs=[
            pl.BlockSpec((NC, _BLK, D), lambda i: (0, i, 0)),
            pl.BlockSpec((D, D), lambda i: (0, 0)),
            pl.BlockSpec((1, D), lambda i: (0, 0)),
        ],
        out_specs=pl.BlockSpec((_BLK, D), lambda i: (i, 0)),
    )(partials, W, b2d)


def kernel(x, edge_index, W, b):
    partials = _sc_aggregate(x, edge_index.astype(jnp.int32))
    return _tc_project(partials, W, b.reshape(1, D))

# --- scband reference (transcript-rebuilt; emitter-appended) ---
"""Pipeline reference for scband-graph-convoluation-40089224740870 (READ-ONLY COPY).

The authoritative reference and input builder live on the scoring server;
editing this copy changes nothing except your own understanding.
"""

import jax, jax.numpy as jnp
import numpy as np

N_NODES = 10000
D_IN = 128
D_OUT = 128
N_EDGES = 320000

def setup_inputs(seed: int = 0) -> dict:
    key = jax.random.key(seed)
    k1, k2, k3, k4 = jax.random.split(key, 4)
    x = jax.random.normal(k1, (N_NODES, D_IN), dtype=jnp.float32)
    edge_index = jax.random.randint(k2, (2, N_EDGES), 0, N_NODES, dtype=jnp.int64)
    stdv = 1.0 / np.sqrt(D_OUT)
    W = jax.random.uniform(k3, (D_IN, D_OUT), dtype=jnp.float32, minval=-stdv, maxval=stdv)
    b = jax.random.uniform(k4, (D_OUT,), dtype=jnp.float32, minval=-stdv, maxval=stdv)
    return {"x": x, "edge_index": edge_index, "W": W, "b": b}

def reference(x, edge_index, W, b):
    # support = inputs @ weight
    support = jnp.dot(x, W)
    # output = spmm(adj, support): adj is an unweighted sparse adjacency
    # represented in COO form by edge_index; row = edge_index[0] (dst),
    # col = edge_index[1] (src). output[dst] += support[src].
    dst = edge_index[0]
    src = edge_index[1]
    gathered = jnp.take(support, src, axis=0)
    output = jax.ops.segment_sum(gathered, dst, num_segments=x.shape[0])
    return output + b

if __name__ == "__main__":
    import jax
    _d = setup_inputs()
    print(jax.jit(kernel)(*tuple(_d.values())))

</pallas_src>

<mosaic_0001>
#map = affine_map<(d0, d1) -> (0, 0)>
#map1 = affine_map<(d0, d1) -> (0, 0, 0)>
module attributes {stable_mosaic.version = 14 : i64} {
  func.func @k(%arg0: i32, %arg1: i32, %arg2: memref<10000x128xf32, #tpu.memory_space<hbm>>, %arg3: memref<2x320000xi32, #tpu.memory_space<hbm>>, %arg4: memref<2x10000x128xf32, #tpu.memory_space<hbm>>, %arg5: memref<10000x128xf32, #tpu.memory_space<vmem_shared>>, %arg6: memref<6x2x128xi32, #tpu.memory_space<vmem>>, %arg7: memref<3x128x128xf32, #tpu.memory_space<vmem>>, %arg8: memref<!tpu.dma_semaphore, #tpu.memory_space<semaphore_mem>>, %arg9: memref<!tpu.dma_semaphore, #tpu.memory_space<semaphore_mem>>, %arg10: memref<!tpu.dma_semaphore, #tpu.memory_space<semaphore_mem>>, %arg11: memref<!tpu.dma_semaphore, #tpu.memory_space<semaphore_mem>>, %arg12: memref<!tpu.dma_semaphore, #tpu.memory_space<semaphore_mem>>, %arg13: memref<!tpu.dma_semaphore, #tpu.memory_space<semaphore_mem>>, %arg14: memref<!tpu.dma_semaphore, #tpu.memory_space<semaphore_mem>>, %arg15: memref<!tpu.dma_semaphore, #tpu.memory_space<semaphore_mem>>, %arg16: memref<!tpu.dma_semaphore, #tpu.memory_space<semaphore_mem>>, %arg17: memref<!tpu.dma_semaphore, #tpu.memory_space<semaphore_mem>>, %arg18: memref<!tpu.dma_semaphore, #tpu.memory_space<semaphore_mem>>, %arg19: memref<!tpu.dma_semaphore, #tpu.memory_space<semaphore_mem>>) attributes {dimension_semantics = [#tpu.dimension_semantics<core_parallel>, #tpu.dimension_semantics<subcore_parallel>], iteration_bounds = array<i64: 2, 16>, scalar_prefetch = 0 : i64, scratch_operands = 15 : i64, tpu.core_type = #tpu.core_type<sc_vector_subcore>, window_params = [{transform_indices = #map}, {transform_indices = #map}, {transform_indices = #map1}]} {
    %mul3A = arith.constant 2 : i32
    %mul3A_0 = arith.muli %arg1, %mul3A : i32
    %add3A = arith.addi %mul3A_0, %arg0 : i32
    %mul3A_1 = arith.constant 78 : i32
    %mul3A_2 = arith.muli %add3A, %mul3A_1 : i32
    %add3A_3 = arith.constant 0 : i32
    %add3A_4 = arith.addi %mul3A_2, %add3A_3 : i32
    %mul3A_5 = arith.constant 128 : i32
    %mul3A_6 = arith.muli %add3A_4, %mul3A_5 : i32
    %dma_start3A = arith.constant 0 : i32
    %dma_start3A_7 = arith.constant 0 : i32
    %dma_start3A_8 = arith.constant 1 : i32
    %dma_start3A_9 = arith.constant 0 : i32
    %dma_start3A_10 = tpu.memref_slice %arg6[%dma_start3A_7, %dma_start3A_8, %dma_start3A_9] : memref<6x2x128xi32, #tpu.memory_space<vmem>> -> memref<1x1x128xi32, #tpu.memory_space<vmem>>
    %dma_start3A_11 = tpu.memref_squeeze %dma_start3A_10 : memref<1x1x128xi32, #tpu.memory_space<vmem>> -> memref<128xi32, #tpu.memory_space<vmem>>
    %dma_start3A_12 = tpu.memref_slice %arg3[%dma_start3A, %mul3A_6] : memref<2x320000xi32, #tpu.memory_space<hbm>> -> memref<1x128xi32, #tpu.memory_space<hbm>>
    %dma_start3A_13 = tpu.memref_squeeze %dma_start3A_12 : memref<1x128xi32, #tpu.memory_space<hbm>> -> memref<128xi32, #tpu.memory_space<hbm>>
    %dma_start3A_14 = arith.constant 0 : i32
    %dma_start3A_15 = tpu.memref_slice %arg6[%dma_start3A_7, %dma_start3A_8, %dma_start3A_14] : memref<6x2x128xi32, #tpu.memory_space<vmem>> -> memref<1x1x128xi32, #tpu.memory_space<vmem>>
    %dma_start3A_16 = tpu.memref_squeeze %dma_start3A_15 : memref<1x1x128xi32, #tpu.memory_space<vmem>> -> memref<128xi32, #tpu.memory_space<vmem>>
    %dma_start3A_17 = tpu.memref_slice %arg3[%dma_start3A, %mul3A_6] : memref<2x320000xi32, #tpu.memory_space<hbm>> -> memref<1x128xi32, #tpu.memory_space<hbm>>
    %dma_start3A_18 = tpu.memref_squeeze %dma_start3A_17 : memref<1x128xi32, #tpu.memory_space<hbm>> -> memref<128xi32, #tpu.memory_space<hbm>>
    tpu.enqueue_dma source(%dma_start3A_18 : memref<128xi32, #tpu.memory_space<hbm>>) target(%dma_start3A_16 : memref<128xi32, #tpu.memory_space<vmem>>) target_semaphore(%arg14 : memref<!tpu.dma_semaphore, #tpu.memory_space<semaphore_mem>>)
    %mul3A_19 = arith.constant 128 : i32
    %mul3A_20 = arith.muli %add3A_4, %mul3A_19 : i32
    %dma_start3A_21 = arith.constant 1 : i32
    %dma_start3A_22 = arith.constant 0 : i32
    %dma_start3A_23 = arith.constant 0 : i32
    %dma_start3A_24 = arith.constant 0 : i32
    %dma_start3A_25 = tpu.memref_slice %arg6[%dma_start3A_22, %dma_start3A_23, %dma_start3A_24] : memref<6x2x128xi32, #tpu.memory_space<vmem>> -> memref<1x1x128xi32, #tpu.memory_space<vmem>>
    %dma_start3A_26 = tpu.memref_squeeze %dma_start3A_25 : memref<1x1x128xi32, #tpu.memory_space<vmem>> -> memref<128xi32, #tpu.memory_space<vmem>>
    %dma_start3A_27 = tpu.memref_slice %arg3[%dma_start3A_21, %mul3A_20] : memref<2x320000xi32, #tpu.memory_space<hbm>> -> memref<1x128xi32, #tpu.memory_space<hbm>>
    %dma_start3A_28 = tpu.memref_squeeze %dma_start3A_27 : memref<1x128xi32, #tpu.memory_space<hbm>> -> memref<128xi32, #tpu.memory_space<hbm>>
    %dma_start3A_29 = arith.constant 0 : i32
    %dma_start3A_30 = tpu.memref_slice %arg6[%dma_start3A_22, %dma_start3A_23, %dma_start3A_29] : memref<6x2x128xi32, #tpu.memory_space<vmem>> -> memref<1x1x128xi32, #tpu.memory_space<vmem>>
    %dma_start3A_31 = tpu.memref_squeeze %dma_start3A_30 : memref<1x1x128xi32, #tpu.memory_space<vmem>> -> memref<128xi32, #tpu.memory_space<vmem>>
    %dma_start3A_32 = tpu.memref_slice %arg3[%dma_start3A_21, %mul3A_20] : memref<2x320000xi32, #tpu.memory_space<hbm>> -> memref<1x128xi32, #tpu.memory_space<hbm>>
    %dma_start3A_33 = tpu.memref_squeeze %dma_start3A_32 : memref<1x128xi32, #tpu.memory_space<hbm>> -> memref<128xi32, #tpu.memory_space<hbm>>
    tpu.enqueue_dma source(%dma_start3A_33 : memref<128xi32, #tpu.memory_space<hbm>>) target(%dma_start3A_31 : memref<128xi32, #tpu.memory_space<vmem>>) target_semaphore(%arg14 : memref<!tpu.dma_semaphore, #tpu.memory_space<semaphore_mem>>)
    %add3A_34 = arith.constant 1 : i32
    %add3A_35 = arith.addi %mul3A_2, %add3A_34 : i32
    %mul3A_36 = arith.constant 128 : i32
    %mul3A_37 = arith.muli %add3A_35, %mul3A_36 : i32
    %dma_start3A_38 = arith.constant 0 : i32
    %dma_start3A_39 = arith.constant 1 : i32
    %dma_start3A_40 = arith.constant 1 : i32
    %dma_start3A_41 = arith.constant 0 : i32
    %dma_start3A_42 = tpu.memref_slice %arg6[%dma_start3A_39, %dma_start3A_40, %dma_start3A_41] : memref<6x2x128xi32, #tpu.memory_space<vmem>> -> memref<1x1x128xi32, #tpu.memory_space<vmem>>
    %dma_start3A_43 = tpu.memref_squeeze %dma_start3A_42 : memref<1x1x128xi32, #tpu.memory_space<vmem>> -> memref<128xi32, #tpu.memory_space<vmem>>
    %dma_start3A_44 = tpu.memref_slice %arg3[%dma_start3A_38, %mul3A_37] : memref<2x320000xi32, #tpu.memory_space<hbm>> -> memref<1x128xi32, #tpu.memory_space<hbm>>
    %dma_start3A_45 = tpu.memref_squeeze %dma_start3A_44 : memref<1x128xi32, #tpu.memory_space<hbm>> -> memref<128xi32, #tpu.memory_space<hbm>>
    %dma_start3A_46 = arith.constant 0 : i32
    %dma_start3A_47 = tpu.memref_slice %arg6[%dma_start3A_39, %dma_start3A_40, %dma_start3A_46] : memref<6x2x128xi32, #tpu.memory_space<vmem>> -> memref<1x1x128xi32, #tpu.memory_space<vmem>>
    %dma_start3A_48 = tpu.memref_squeeze %dma_start3A_47 : memref<1x1x128xi32, #tpu.memory_space<vmem>> -> memref<128xi32, #tpu.memory_space<vmem>>
    %dma_start3A_49 = tpu.memref_slice %arg3[%dma_start3A_38, %mul3A_37] : memref<2x320000xi32, #tpu.memory_space<hbm>> -> memref<1x128xi32, #tpu.memory_space<hbm>>
    %dma_start3A_50 = tpu.memref_squeeze %dma_start3A_49 : memref<1x128xi32, #tpu.memory_space<hbm>> -> memref<128xi32, #tpu.memory_space<hbm>>
    tpu.enqueue_dma source(%dma_start3A_50 : memref<128xi32, #tpu.memory_space<hbm>>) target(%dma_start3A_48 : memref<128xi32, #tpu.memory_space<vmem>>) target_semaphore(%arg15 : memref<!tpu.dma_semaphore, #tpu.memory_space<semaphore_mem>>)
    %mul3A_51 = arith.constant 128 : i32
    %mul3A_52 = arith.muli %add3A_35, %mul3A_51 : i32
    %dma_start3A_53 = arith.constant 1 : i32
    %dma_start3A_54 = arith.constant 1 : i32
    %dma_start3A_55 = arith.constant 0 : i32
    %dma_start3A_56 = arith.constant 0 : i32
    %dma_start3A_57 = tpu.memref_slice %arg6[%dma_start3A_54, %dma_start3A_55, %dma_start3A_56] : memref<6x2x128xi32, #tpu.memory_space<vmem>> -> memref<1x1x128xi32, #tpu.memory_space<vmem>>
    %dma_start3A_58 = tpu.memref_squeeze %dma_start3A_57 : memref<1x1x128xi32, #tpu.memory_space<vmem>> -> memref<128xi32, #tpu.memory_space<vmem>>
    %dma_start3A_59 = tpu.memref_slice %arg3[%dma_start3A_53, %mul3A_52] : memref<2x320000xi32, #tpu.memory_space<hbm>> -> memref<1x128xi32, #tpu.memory_space<hbm>>
    %dma_start3A_60 = tpu.memref_squeeze %dma_start3A_59 : memref<1x128xi32, #tpu.memory_space<hbm>> -> memref<128xi32, #tpu.memory_space<hbm>>
    %dma_start3A_61 = arith.constant 0 : i32
    %dma_start3A_62 = tpu.memref_slice %arg6[%dma_start3A_54, %dma_start3A_55, %dma_start3A_61] : memref<6x2x128xi32, #tpu.memory_space<vmem>> -> memref<1x1x128xi32, #tpu.memory_space<vmem>>
    %dma_start3A_63 = tpu.memref_squeeze %dma_start3A_62 : memref<1x1x128xi32, #tpu.memory_space<vmem>> -> memref<128xi32, #tpu.memory_space<vmem>>
    %dma_start3A_64 = tpu.memref_slice %arg3[%dma_start3A_53, %mul3A_52] : memref<2x320000xi32, #tpu.memory_space<hbm>> -> memref<1x128xi32, #tpu.memory_space<hbm>>
    %dma_start3A_65 = tpu.memref_squeeze %dma_start3A_64 : memref<1x128xi32, #tpu.memory_space<hbm>> -> memref<128xi32, #tpu.memory_space<hbm>>
    tpu.enqueue_dma source(%dma_start3A_65 : memref<128xi32, #tpu.memory_space<hbm>>) target(%dma_start3A_63 : memref<128xi32, #tpu.memory_space<vmem>>) target_semaphore(%arg15 : memref<!tpu.dma_semaphore, #tpu.memory_space<semaphore_mem>>)
    %add3A_66 = arith.constant 2 : i32
    %add3A_67 = arith.addi %mul3A_2, %add3A_66 : i32
    %mul3A_68 = arith.constant 128 : i32
    %mul3A_69 = arith.muli %add3A_67, %mul3A_68 : i32
    %dma_start3A_70 = arith.constant 0 : i32
    %dma_start3A_71 = arith.constant 2 : i32
    %dma_start3A_72 = arith.constant 1 : i32
    %dma_start3A_73 = arith.constant 0 : i32
    %dma_start3A_74 = tpu.memref_slice %arg6[%dma_start3A_71, %dma_start3A_72, %dma_start3A_73] : memref<6x2x128xi32, #tpu.memory_space<vmem>> -> memref<1x1x128xi32, #tpu.memory_space<vmem>>
    %dma_start3A_75 = tpu.memref_squeeze %dma_start3A_74 : memref<1x1x128xi32, #tpu.memory_space<vmem>> -> memref<128xi32, #tpu.memory_space<vmem>>
    %dma_start3A_76 = tpu.memref_slice %arg3[%dma_start3A_70, %mul3A_69] : memref<2x320000xi32, #tpu.memory_space<hbm>> -> memref<1x128xi32, #tpu.memory_space<hbm>>
    %dma_start3A_77 = tpu.memref_squeeze %dma_start3A_76 : memref<1x128xi32, #tpu.memory_space<hbm>> -> memref<128xi32, #tpu.memory_space<hbm>>
    %dma_start3A_78 = arith.constant 0 : i32
    %dma_start3A_79 = tpu.memref_slice %arg6[%dma_start3A_71, %dma_start3A_72, %dma_start3A_78] : memref<6x2x128xi32, #tpu.memory_space<vmem>> -> memref<1x1x128xi32, #tpu.memory_space<vmem>>
    %dma_start3A_80 = tpu.memref_squeeze %dma_start3A_79 : memref<1x1x128xi32, #tpu.memory_space<vmem>> -> memref<128xi32, #tpu.memory_space<vmem>>
    %dma_start3A_81 = tpu.memref_slice %arg3[%dma_start3A_70, %mul3A_69] : memref<2x320000xi32, #tpu.memory_space<hbm>> -> memref<1x128xi32, #tpu.memory_space<hbm>>
    %dma_start3A_82 = tpu.memref_squeeze %dma_start3A_81 : memref<1x128xi32, #tpu.memory_space<hbm>> -> memref<128xi32, #tpu.memory_space<hbm>>
    tpu.enqueue_dma source(%dma_start3A_82 : memref<128xi32, #tpu.memory_space<hbm>>) target(%dma_start3A_80 : memref<128xi32, #tpu.memory_space<vmem>>) target_semaphore(%arg16 : memref<!tpu.dma_semaphore, #tpu.memory_space<semaphore_mem>>)
    %mul3A_83 = arith.constant 128 : i32
    %mul3A_84 = arith.muli %add3A_67, %mul3A_83 : i32
    %dma_start3A_85 = arith.constant 1 : i32
    %dma_start3A_86 = arith.constant 2 : i32
    %dma_start3A_87 = arith.constant 0 : i32
    %dma_start3A_88 = arith.constant 0 : i32
    %dma_start3A_89 = tpu.memref_slice %arg6[%dma_start3A_86, %dma_start3A_87, %dma_start3A_88] : memref<6x2x128xi32, #tpu.memory_space<vmem>> -> memref<1x1x128xi32, #tpu.memory_space<vmem>>
    %dma_start3A_90 = tpu.memref_squeeze %dma_start3A_89 : memref<1x1x128xi32, #tpu.memory_space<vmem>> -> memref<128xi32, #tpu.memory_space<vmem>>
    %dma_start3A_91 = tpu.memref_slice %arg3[%dma_start3A_85, %mul3A_84] : memref<2x320000xi32, #tpu.memory_space<hbm>> -> memref<1x128xi32, #tpu.memory_space<hbm>>
    %dma_start3A_92 = tpu.memref_squeeze %dma_start3A_91 : memref<1x128xi32, #tpu.memory_space<hbm>> -> memref<128xi32, #tpu.memory_space<hbm>>
    %dma_start3A_93 = arith.constant 0 : i32
    %dma_start3A_94 = tpu.memref_slice %arg6[%dma_start3A_86, %dma_start3A_87, %dma_start3A_93] : memref<6x2x128xi32, #tpu.memory_space<vmem>> -> memref<1x1x128xi32, #tpu.memory_space<vmem>>
    %dma_start3A_95 = tpu.memref_squeeze %dma_start3A_94 : memref<1x1x128xi32, #tpu.memory_space<vmem>> -> memref<128xi32, #tpu.memory_space<vmem>>
    %dma_start3A_96 = tpu.memref_slice %arg3[%dma_start3A_85, %mul3A_84] : memref<2x320000xi32, #tpu.memory_space<hbm>> -> memref<1x128xi32, #tpu.memory_space<hbm>>
    %dma_start3A_97 = tpu.memref_squeeze %dma_start3A_96 : memref<1x128xi32, #tpu.memory_space<hbm>> -> memref<128xi32, #tpu.memory_space<hbm>>
    tpu.enqueue_dma source(%dma_start3A_97 : memref<128xi32, #tpu.memory_space<hbm>>) target(%dma_start3A_95 : memref<128xi32, #tpu.memory_space<vmem>>) target_semaphore(%arg16 : memref<!tpu.dma_semaphore, #tpu.memory_space<semaphore_mem>>)
    %add3A_98 = arith.constant 3 : i32
    %add3A_99 = arith.addi %mul3A_2, %add3A_98 : i32
    %mul3A_100 = arith.constant 128 : i32
    %mul3A_101 = arith.muli %add3A_99, %mul3A_100 : i32
    %dma_start3A_102 = arith.constant 0 : i32
    %dma_start3A_103 = arith.constant 3 : i32
    %dma_start3A_104 = arith.constant 1 : i32
    %dma_start3A_105 = arith.constant 0 : i32
    %dma_start3A_106 = tpu.memref_slice %arg6[%dma_start3A_103, %dma_start3A_104, %dma_start3A_105] : memref<6x2x128xi32, #tpu.memory_space<vmem>> -> memref<1x1x128xi32, #tpu.memory_space<vmem>>
    %dma_start3A_107 = tpu.memref_squeeze %dma_start3A_106 : memref<1x1x128xi32, #tpu.memory_space<vmem>> -> memref<128xi32, #tpu.memory_space<vmem>>
    %dma_start3A_108 = tpu.memref_slice %arg3[%dma_start3A_102, %mul3A_101] : memref<2x320000xi32, #tpu.memory_space<hbm>> -> memref<1x128xi32, #tpu.memory_space<hbm>>
    %dma_start3A_109 = tpu.memref_squeeze %dma_start3A_108 : memref<1x128xi32, #tpu.memory_space<hbm>> -> memref<128xi32, #tpu.memory_space<hbm>>
    %dma_start3A_110 = arith.constant 0 : i32
    %dma_start3A_111 = tpu.memref_slice %arg6[%dma_start3A_103, %dma_start3A_104, %dma_start3A_110] : memref<6x2x128xi32, #tpu.memory_space<vmem>> -> memref<1x1x128xi32, #tpu.memory_space<vmem>>
    %dma_start3A_112 = tpu.memref_squeeze %dma_start3A_111 : memref<1x1x128xi32, #tpu.memory_space<vmem>> -> memref<128xi32, #tpu.memory_space<vmem>>
    %dma_start3A_113 = tpu.memref_slice %arg3[%dma_start3A_102, %mul3A_101] : memref<2x320000xi32, #tpu.memory_space<hbm>> -> memref<1x128xi32, #tpu.memory_space<hbm>>
    %dma_start3A_114 = tpu.memref_squeeze %dma_start3A_113 : memref<1x128xi32, #tpu.memory_space<hbm>> -> memref<128xi32, #tpu.memory_space<hbm>>
    tpu.enqueue_dma source(%dma_start3A_114 : memref<128xi32, #tpu.memory_space<hbm>>) target(%dma_start3A_112 : memref<128xi32, #tpu.memory_space<vmem>>) target_semaphore(%arg17 : memref<!tpu.dma_semaphore, #tpu.memory_space<semaphore_mem>>)
    %mul3A_115 = arith.constant 128 : i32
    %mul3A_116 = arith.muli %add3A_99, %mul3A_115 : i32
    %dma_start3A_117 = arith.constant 1 : i32
    %dma_start3A_118 = arith.constant 3 : i32
    %dma_start3A_119 = arith.constant 0 : i32
    %dma_start3A_120 = arith.constant 0 : i32
    %dma_start3A_121 = tpu.memref_slice %arg6[%dma_start3A_118, %dma_start3A_119, %dma_start3A_120] : memref<6x2x128xi32, #tpu.memory_space<vmem>> -> memref<1x1x128xi32, #tpu.memory_space<vmem>>
    %dma_start3A_122 = tpu.memref_squeeze %dma_start3A_121 : memref<1x1x128xi32, #tpu.memory_space<vmem>> -> memref<128xi32, #tpu.memory_space<vmem>>
    %dma_start3A_123 = tpu.memref_slice %arg3[%dma_start3A_117, %mul3A_116] : memref<2x320000xi32, #tpu.memory_space<hbm>> -> memref<1x128xi32, #tpu.memory_space<hbm>>
    %dma_start3A_124 = tpu.memref_squeeze %dma_start3A_123 : memref<1x128xi32, #tpu.memory_space<hbm>> -> memref<128xi32, #tpu.memory_space<hbm>>
    %dma_start3A_125 = arith.constant 0 : i32
    %dma_start3A_126 = tpu.memref_slice %arg6[%dma_start3A_118, %dma_start3A_119, %dma_start3A_125] : memref<6x2x128xi32, #tpu.memory_space<vmem>> -> memref<1x1x128xi32, #tpu.memory_space<vmem>>
    %dma_start3A_127 = tpu.memref_squeeze %dma_start3A_126 : memref<1x1x128xi32, #tpu.memory_space<vmem>> -> memref<128xi32, #tpu.memory_space<vmem>>
    %dma_start3A_128 = tpu.memref_slice %arg3[%dma_start3A_117, %mul3A_116] : memref<2x320000xi32, #tpu.memory_space<hbm>> -> memref<1x128xi32, #tpu.memory_space<hbm>>
    %dma_start3A_129 = tpu.memref_squeeze %dma_start3A_128 : memref<1x128xi32, #tpu.memory_space<hbm>> -> memref<128xi32, #tpu.memory_space<hbm>>
    tpu.enqueue_dma source(%dma_start3A_129 : memref<128xi32, #tpu.memory_space<hbm>>) target(%dma_start3A_127 : memref<128xi32, #tpu.memory_space<vmem>>) target_semaphore(%arg17 : memref<!tpu.dma_semaphore, #tpu.memory_space<semaphore_mem>>)
    %add3A_130 = arith.constant 4 : i32
    %add3A_131 = arith.addi %mul3A_2, %add3A_130 : i32
    %mul3A_132 = arith.constant 128 : i32
    %mul3A_133 = arith.muli %add3A_131, %mul3A_132 : i32
    %dma_start3A_134 = arith.constant 0 : i32
    %dma_start3A_135 = arith.constant 4 : i32
    %dma_start3A_136 = arith.constant 1 : i32
    %dma_start3A_137 = arith.constant 0 : i32
    %dma_start3A_138 = tpu.memref_slice %arg6[%dma_start3A_135, %dma_start3A_136, %dma_start3A_137] : memref<6x2x128xi32, #tpu.memory_space<vmem>> -> memref<1x1x128xi32, #tpu.memory_space<vmem>>
    %dma_start3A_139 = tpu.memref_squeeze %dma_start3A_138 : memref<1x1x128xi32, #tpu.memory_space<vmem>> -> memref<128xi32, #tpu.memory_space<vmem>>
    %dma_start3A_140 = tpu.memref_slice %arg3[%dma_start3A_134, %mul3A_133] : memref<2x320000xi32, #tpu.memory_space<hbm>> -> memref<1x128xi32, #tpu.memory_space<hbm>>
    %dma_start3A_141 = tpu.memref_squeeze %dma_start3A_140 : memref<1x128xi32, #tpu.memory_space<hbm>> -> memref<128xi32, #tpu.memory_space<hbm>>
    %dma_start3A_142 = arith.constant 0 : i32
    %dma_start3A_143 = tpu.memref_slice %arg6[%dma_start3A_135, %dma_start3A_136, %dma_start3A_142] : memref<6x2x128xi32, #tpu.memory_space<vmem>> -> memref<1x1x128xi32, #tpu.memory_space<vmem>>
    %dma_start3A_144 = tpu.memref_squeeze %dma_start3A_143 : memref<1x1x128xi32, #tpu.memory_space<vmem>> -> memref<128xi32, #tpu.memory_space<vmem>>
    %dma_start3A_145 = tpu.memref_slice %arg3[%dma_start3A_134, %mul3A_133] : memref<2x320000xi32, #tpu.memory_space<hbm>> -> memref<1x128xi32, #tpu.memory_space<hbm>>
    %dma_start3A_146 = tpu.memref_squeeze %dma_start3A_145 : memref<1x128xi32, #tpu.memory_space<hbm>> -> memref<128xi32, #tpu.memory_space<hbm>>
    tpu.enqueue_dma source(%dma_start3A_146 : memref<128xi32, #tpu.memory_space<hbm>>) target(%dma_start3A_144 : memref<128xi32, #tpu.memory_space<vmem>>) target_semaphore(%arg18 : memref<!tpu.dma_semaphore, #tpu.memory_space<semaphore_mem>>)
    %mul3A_147 = arith.constant 128 : i32
    %mul3A_148 = arith.muli %add3A_131, %mul3A_147 : i32
    %dma_start3A_149 = arith.constant 1 : i32
    %dma_start3A_150 = arith.constant 4 : i32
    %dma_start3A_151 = arith.constant 0 : i32
    %dma_start3A_152 = arith.constant 0 : i32
    %dma_start3A_153 = tpu.memref_slice %arg6[%dma_start3A_150, %dma_start3A_151, %dma_start3A_152] : memref<6x2x128xi32, #tpu.memory_space<vmem>> -> memref<1x1x128xi32, #tpu.memory_space<vmem>>
    %dma_start3A_154 = tpu.memref_squeeze %dma_start3A_153 : memref<1x1x128xi32, #tpu.memory_space<vmem>> -> memref<128xi32, #tpu.memory_space<vmem>>
    %dma_start3A_155 = tpu.memref_slice %arg3[%dma_start3A_149, %mul3A_148] : memref<2x320000xi32, #tpu.memory_space<hbm>> -> memref<1x128xi32, #tpu.memory_space<hbm>>
    %dma_start3A_156 = tpu.memref_squeeze %dma_start3A_155 : memref<1x128xi32, #tpu.memory_space<hbm>> -> memref<128xi32, #tpu.memory_space<hbm>>
    %dma_start3A_157 = arith.constant 0 : i32
    %dma_start3A_158 = tpu.memref_slice %arg6[%dma_start3A_150, %dma_start3A_151, %dma_start3A_157] : memref<6x2x128xi32, #tpu.memory_space<vmem>> -> memref<1x1x128xi32, #tpu.memory_space<vmem>>
    %dma_start3A_159 = tpu.memref_squeeze %dma_start3A_158 : memref<1x1x128xi32, #tpu.memory_space<vmem>> -> memref<128xi32, #tpu.memory_space<vmem>>
    %dma_start3A_160 = tpu.memref_slice %arg3[%dma_start3A_149, %mul3A_148] : memref<2x320000xi32, #tpu.memory_space<hbm>> -> memref<1x128xi32, #tpu.memory_space<hbm>>
    %dma_start3A_161 = tpu.memref_squeeze %dma_start3A_160 : memref<1x128xi32, #tpu.memory_space<hbm>> -> memref<128xi32, #tpu.memory_space<hbm>>
    tpu.enqueue_dma source(%dma_start3A_161 : memref<128xi32, #tpu.memory_space<hbm>>) target(%dma_start3A_159 : memref<128xi32, #tpu.memory_space<vmem>>) target_semaphore(%arg18 : memref<!tpu.dma_semaphore, #tpu.memory_space<semaphore_mem>>)
    %add3A_162 = arith.constant 5 : i32
    %add3A_163 = arith.addi %mul3A_2, %add3A_162 : i32
    %mul3A_164 = arith.constant 128 : i32
    %mul3A_165 = arith.muli %add3A_163, %mul3A_164 : i32
    %dma_start3A_166 = arith.constant 0 : i32
    %dma_start3A_167 = arith.constant 5 : i32
    %dma_start3A_168 = arith.constant 1 : i32
    %dma_start3A_169 = arith.constant 0 : i32
    %dma_start3A_170 = tpu.memref_slice %arg6[%dma_start3A_167, %dma_start3A_168, %dma_start3A_169] : memref<6x2x128xi32, #tpu.memory_space<vmem>> -> memref<1x1x128xi32, #tpu.memory_space<vmem>>
    %dma_start3A_171 = tpu.memref_squeeze %dma_start3A_170 : memref<1x1x128xi32, #tpu.memory_space<vmem>> -> memref<128xi32, #tpu.memory_space<vmem>>
    %dma_start3A_172 = tpu.memref_slice %arg3[%dma_start3A_166, %mul3A_165] : memref<2x320000xi32, #tpu.memory_space<hbm>> -> memref<1x128xi32, #tpu.memory_space<hbm>>
    %dma_start3A_173 = tpu.memref_squeeze %dma_start3A_172 : memref<1x128xi32, #tpu.memory_space<hbm>> -> memref<128xi32, #tpu.memory_space<hbm>>
    %dma_start3A_174 = arith.constant 0 : i32
    %dma_start3A_175 = tpu.memref_slice %arg6[%dma_start3A_167, %dma_start3A_168, %dma_start3A_174] : memref<6x2x128xi32, #tpu.memory_space<vmem>> -> memref<1x1x128xi32, #tpu.memory_space<vmem>>
    %dma_start3A_176 = tpu.memref_squeeze %dma_start3A_175 : memref<1x1x128xi32, #tpu.memory_space<vmem>> -> memref<128xi32, #tpu.memory_space<vmem>>
    %dma_start3A_177 = tpu.memref_slice %arg3[%dma_start3A_166, %mul3A_165] : memref<2x320000xi32, #tpu.memory_space<hbm>> -> memref<1x128xi32, #tpu.memory_space<hbm>>
    %dma_start3A_178 = tpu.memref_squeeze %dma_start3A_177 : memref<1x128xi32, #tpu.memory_space<hbm>> -> memref<128xi32, #tpu.memory_space<hbm>>
    tpu.enqueue_dma source(%dma_start3A_178 : memref<128xi32, #tpu.memory_space<hbm>>) target(%dma_start3A_176 : memref<128xi32, #tpu.memory_space<vmem>>) target_semaphore(%arg19 : memref<!tpu.dma_semaphore, #tpu.memory_space<semaphore_mem>>)
    %mul3A_179 = arith.constant 128 : i32
    %mul3A_180 = arith.muli %add3A_163, %mul3A_179 : i32
    %dma_start3A_181 = arith.constant 1 : i32
    %dma_start3A_182 = arith.constant 5 : i32
    %dma_start3A_183 = arith.constant 0 : i32
    %dma_start3A_184 = arith.constant 0 : i32
    %dma_start3A_185 = tpu.memref_slice %arg6[%dma_start3A_182, %dma_start3A_183, %dma_start3A_184] : memref<6x2x128xi32, #tpu.memory_space<vmem>> -> memref<1x1x128xi32, #tpu.memory_space<vmem>>
    %dma_start3A_186 = tpu.memref_squeeze %dma_start3A_185 : memref<1x1x128xi32, #tpu.memory_space<vmem>> -> memref<128xi32, #tpu.memory_space<vmem>>
    %dma_start3A_187 = tpu.memref_slice %arg3[%dma_start3A_181, %mul3A_180] : memref<2x320000xi32, #tpu.memory_space<hbm>> -> memref<1x128xi32, #tpu.memory_space<hbm>>
    %dma_start3A_188 = tpu.memref_squeeze %dma_start3A_187 : memref<1x128xi32, #tpu.memory_space<hbm>> -> memref<128xi32, #tpu.memory_space<hbm>>
    %dma_start3A_189 = arith.constant 0 : i32
    %dma_start3A_190 = tpu.memref_slice %arg6[%dma_start3A_182, %dma_start3A_183, %dma_start3A_189] : memref<6x2x128xi32, #tpu.memory_space<vmem>> -> memref<1x1x128xi32, #tpu.memory_space<vmem>>
    %dma_start3A_191 = tpu.memref_squeeze %dma_start3A_190 : memref<1x1x128xi32, #tpu.memory_space<vmem>> -> memref<128xi32, #tpu.memory_space<vmem>>
    %dma_start3A_192 = tpu.memref_slice %arg3[%dma_start3A_181, %mul3A_180] : memref<2x320000xi32, #tpu.memory_space<hbm>> -> memref<1x128xi32, #tpu.memory_space<hbm>>
    %dma_start3A_193 = tpu.memref_squeeze %dma_start3A_192 : memref<1x128xi32, #tpu.memory_space<hbm>> -> memref<128xi32, #tpu.memory_space<hbm>>
    tpu.enqueue_dma source(%dma_start3A_193 : memref<128xi32, #tpu.memory_space<hbm>>) target(%dma_start3A_191 : memref<128xi32, #tpu.memory_space<vmem>>) target_semaphore(%arg19 : memref<!tpu.dma_semaphore, #tpu.memory_space<semaphore_mem>>)
    %broadcast_in_dim3A = arith.constant 0.000000e+00 : f32
    %broadcast_in_dim3A_194 = vector.broadcast %broadcast_in_dim3A : f32 to vector<16xf32>
    %scan3A = arith.constant 0 : i32
    %scan3A_195 = arith.constant 0 : i32
    %scan3A_196 = arith.constant 128 : i32
    %scan3A_197 = arith.addi %scan3A_195, %scan3A_196 : i32
    %scan3A_198 = arith.constant 1 : i32
    scf.for %scan3A_471 = %scan3A_195 to %scan3A_197 step %scan3A_198  : i32 {
      %swap3A = arith.constant 2 : i32
      %swap3A_472 = arith.index_cast %swap3A : i32 to index
      %swap3A_473 = arith.index_cast %scan3A_471 : i32 to index
      %swap3A_474 = arith.constant 0 : index
      %swap3A_475 = tpu.vector_load %arg7[%swap3A_472, %swap3A_473, %swap3A_474] {strides = array<i32>} : memref<3x128x128xf32, #tpu.memory_space<vmem>>, vector<1x1x16xf32>,
      %swap3A_476 = vector.shape_cast %swap3A_475 : vector<1x1x16xf32> to vector<16xf32>
      %swap3A_477 = vector.shape_cast %broadcast_in_dim3A_194 : vector<16xf32> to vector<1x1x16xf32>
      tpu.vector_store %arg7[%swap3A_472, %swap3A_473, %swap3A_474], %swap3A_477 {strides = array<i32>} : memref<3x128x128xf32, #tpu.memory_space<vmem>>, vector<1x1x16xf32>,
      %swap3A_478 = arith.constant 2 : i32
      %swap3A_479 = arith.index_cast %swap3A_478 : i32 to index
      %swap3A_480 = arith.index_cast %scan3A_471 : i32 to index
      %swap3A_481 = arith.constant 16 : index
      %swap3A_482 = tpu.vector_load %arg7[%swap3A_479, %swap3A_480, %swap3A_481] {strides = array<i32>} : memref<3x128x128xf32, #tpu.memory_space<vmem>>, vector<1x1x16xf32>,
      %swap3A_483 = vector.shape_cast %swap3A_482 : vector<1x1x16xf32> to vector<16xf32>
      %swap3A_484 = vector.shape_cast %broadcast_in_dim3A_194 : vector<16xf32> to vector<1x1x16xf32>
      tpu.vector_store %arg7[%swap3A_479, %swap3A_480, %swap3A_481], %swap3A_484 {strides = array<i32>} : memref<3x128x128xf32, #tpu.memory_space<vmem>>, vector<1x1x16xf32>,
      %swap3A_485 = arith.constant 2 : i32
      %swap3A_486 = arith.index_cast %swap3A_485 : i32 to index
      %swap3A_487 = arith.index_cast %scan3A_471 : i32 to index
      %swap3A_488 = arith.constant 32 : index
      %swap3A_489 = tpu.vector_load %arg7[%swap3A_486, %swap3A_487, %swap3A_488] {strides = array<i32>} : memref<3x128x128xf32, #tpu.memory_space<vmem>>, vector<1x1x16xf32>,
      %swap3A_490 = vector.shape_cast %swap3A_489 : vector<1x1x16xf32> to vector<16xf32>
      %swap3A_491 = vector.shape_cast %broadcast_in_dim3A_194 : vector<16xf32> to vector<1x1x16xf32>
      tpu.vector_store %arg7[%swap3A_486, %swap3A_487, %swap3A_488], %swap3A_491 {strides = array<i32>} : memref<3x128x128xf32, #tpu.memory_space<vmem>>, vector<1x1x16xf32>,
      %swap3A_492 = arith.constant 2 : i32
      %swap3A_493 = arith.index_cast %swap3A_492 : i32 to index
      %swap3A_494 = arith.index_cast %scan3A_471 : i32 to index
      %swap3A_495 = arith.constant 48 : index
      %swap3A_496 = tpu.vector_load %arg7[%swap3A_493, %swap3A_494, %swap3A_495] {strides = array<i32>} : memref<3x128x128xf32, #tpu.memory_space<vmem>>, vector<1x1x16xf32>,
      %swap3A_497 = vector.shape_cast %swap3A_496 : vector<1x1x16xf32> to vector<16xf32>
      %swap3A_498 = vector.shape_cast %broadcast_in_dim3A_194 : vector<16xf32> to vector<1x1x16xf32>
      tpu.vector_store %arg7[%swap3A_493, %swap3A_494, %swap3A_495], %swap3A_498 {strides = array<i32>} : memref<3x128x128xf32, #tpu.memory_space<vmem>>, vector<1x1x16xf32>,
      %swap3A_499 = arith.constant 2 : i32
      %swap3A_500 = arith.index_cast %swap3A_499 : i32 to index
      %swap3A_501 = arith.index_cast %scan3A_471 : i32 to index
      %swap3A_502 = arith.constant 64 : index
      %swap3A_503 = tpu.vector_load %arg7[%swap3A_500, %swap3A_501, %swap3A_502] {strides = array<i32>} : memref<3x128x128xf32, #tpu.memory_space<vmem>>, vector<1x1x16xf32>,
      %swap3A_504 = vector.shape_cast %swap3A_503 : vector<1x1x16xf32> to vector<16xf32>
      %swap3A_505 = vector.shape_cast %broadcast_in_dim3A_194 : vector<16xf32> to vector<1x1x16xf32>
      tpu.vector_store %arg7[%swap3A_500, %swap3A_501, %swap3A_502], %swap3A_505 {strides = array<i32>} : memref<3x128x128xf32, #tpu.memory_space<vmem>>, vector<1x1x16xf32>,
      %swap3A_506 = arith.constant 2 : i32
      %swap3A_507 = arith.index_cast %swap3A_506 : i32 to index
      %swap3A_508 = arith.index_cast %scan3A_471 : i32 to index
      %swap3A_509 = arith.constant 80 : index
      %swap3A_510 = tpu.vector_load %arg7[%swap3A_507, %swap3A_508, %swap3A_509] {strides = array<i32>} : memref<3x128x128xf32, #tpu.memory_space<vmem>>, vector<1x1x16xf32>,
      %swap3A_511 = vector.shape_cast %swap3A_510 : vector<1x1x16xf32> to vector<16xf32>
      %swap3A_512 = vector.shape_cast %broadcast_in_dim3A_194 : vector<16xf32> to vector<1x1x16xf32>
      tpu.vector_store %arg7[%swap3A_507, %swap3A_508, %swap3A_509], %swap3A_512 {strides = array<i32>} : memref<3x128x128xf32, #tpu.memory_space<vmem>>, vector<1x1x16xf32>,
      %swap3A_513 = arith.constant 2 : i32
      %swap3A_514 = arith.index_cast %swap3A_513 : i32 to index
      %swap3A_515 = arith.index_cast %scan3A_471 : i32 to index
      %swap3A_516 = arith.constant 96 : index
      %swap3A_517 = tpu.vector_load %arg7[%swap3A_514, %swap3A_515, %swap3A_516] {strides = array<i32>} : memref<3x128x128xf32, #tpu.memory_space<vmem>>, vector<1x1x16xf32>,
      %swap3A_518 = vector.shape_cast %swap3A_517 : vector<1x1x16xf32> to vector<16xf32>
      %swap3A_519 = vector.shape_cast %broadcast_in_dim3A_194 : vector<16xf32> to vector<1x1x16xf32>
      tpu.vector_store %arg7[%swap3A_514, %swap3A_515, %swap3A_516], %swap3A_519 {strides = array<i32>} : memref<3x128x128xf32, #tpu.memory_space<vmem>>, vector<1x1x16xf32>,
      %swap3A_520 = arith.constant 2 : i32
      %swap3A_521 = arith.index_cast %swap3A_520 : i32 to index
      %swap3A_522 = arith.index_cast %scan3A_471 : i32 to index
      %swap3A_523 = arith.constant 112 : index
      %swap3A_524 = tpu.vector_load %arg7[%swap3A_521, %swap3A_522, %swap3A_523] {strides = array<i32>} : memref<3x128x128xf32, #tpu.memory_space<vmem>>, vector<1x1x16xf32>,
      %swap3A_525 = vector.shape_cast %swap3A_524 : vector<1x1x16xf32> to vector<16xf32>
      %swap3A_526 = vector.shape_cast %broadcast_in_dim3A_194 : vector<16xf32> to vector<1x1x16xf32>
      tpu.vector_store %arg7[%swap3A_521, %swap3A_522, %swap3A_523], %swap3A_526 {strides = array<i32>} : memref<3x128x128xf32, #tpu.memory_space<vmem>>, vector<1x1x16xf32>,
    }
    %scan3A_199 = arith.constant 128 : i32
    %mul3A_200 = arith.constant 624 : i32
    %mul3A_201 = arith.muli %arg1, %mul3A_200 : i32
    %add3A_202 = arith.constant 0 : i32
    %add3A_203 = arith.addi %mul3A_201, %add3A_202 : i32
    %dma_start3A_204 = arith.constant 2 : i32
    %dma_start3A_205 = arith.constant 0 : i32
    %dma_start3A_206 = arith.constant 0 : i32
    %dma_start3A_207 = tpu.memref_slice %arg7[%dma_start3A_204, %dma_start3A_205, %dma_start3A_206] : memref<3x128x128xf32, #tpu.memory_space<vmem>> -> memref<1x128x128xf32, #tpu.memory_space<vmem>>
    %dma_start3A_208 = tpu.memref_squeeze %dma_start3A_207 : memref<1x128x128xf32, #tpu.memory_space<vmem>> -> memref<128x128xf32, #tpu.memory_space<vmem>>
    %dma_start3A_209 = arith.constant 0 : i32
    %dma_start3A_210 = tpu.memref_slice %arg5[%add3A_203, %dma_start3A_209] : memref<10000x128xf32, #tpu.memory_space<vmem_shared>> -> memref<128x128xf32, #tpu.memory_space<vmem_shared>>
    %dma_start3A_211 = arith.constant 0 : i32
    %dma_start3A_212 = tpu.memref_slice %arg5[%add3A_203, %dma_start3A_211] : memref<10000x128xf32, #tpu.memory_space<vmem_shared>> -> memref<128x128xf32, #tpu.memory_space<vmem_shared>>
    %dma_start3A_213 = arith.constant 0 : i32
    %dma_start3A_214 = arith.constant 0 : i32
    %dma_start3A_215 = tpu.memref_slice %arg7[%dma_start3A_204, %dma_start3A_213, %dma_start3A_214] : memref<3x128x128xf32, #tpu.memory_space<vmem>> -> memref<1x128x128xf32, #tpu.memory_space<vmem>>
    %dma_start3A_216 = tpu.memref_squeeze %dma_start3A_215 : memref<1x128x128xf32, #tpu.memory_space<vmem>> -> memref<128x128xf32, #tpu.memory_space<vmem>>
    tpu.enqueue_dma source(%dma_start3A_216 : memref<128x128xf32, #tpu.memory_space<vmem>>) target(%dma_start3A_212 : memref<128x128xf32, #tpu.memory_space<vmem_shared>>) target_semaphore(%arg11 : memref<!tpu.dma_semaphore, #tpu.memory_space<semaphore_mem>>)
    %mul3A_217 = arith.constant 624 : i32
    %mul3A_218 = arith.muli %arg1, %mul3A_217 : i32
    %add3A_219 = arith.constant 128 : i32
    %add3A_220 = arith.addi %mul3A_218, %add3A_219 : i32
    %dma_start3A_221 = arith.constant 2 : i32
    %dma_start3A_222 = arith.constant 0 : i32
    %dma_start3A_223 = arith.constant 0 : i32
    %dma_start3A_224 = tpu.memref_slice %arg7[%dma_start3A_221, %dma_start3A_222, %dma_start3A_223] : memref<3x128x128xf32, #tpu.memory_space<vmem>> -> memref<1x128x128xf32, #tpu.memory_space<vmem>>
    %dma_start3A_225 = tpu.memref_squeeze %dma_start3A_224 : memref<1x128x128xf32, #tpu.memory_space<vmem>> -> memref<128x128xf32, #tpu.memory_space<vmem>>
    %dma_start3A_226 = arith.constant 0 : i32
    %dma_start3A_227 = tpu.memref_slice %arg5[%add3A_220, %dma_start3A_226] : memref<10000x128xf32, #tpu.memory_space<vmem_shared>> -> memref<128x128xf32, #tpu.memory_space<vmem_shared>>
    %dma_start3A_228 = arith.constant 0 : i32
    %dma_start3A_229 = tpu.memref_slice %arg5[%add3A_220, %dma_start3A_228] : memref<10000x128xf32, #tpu.memory_space<vmem_shared>> -> memref<128x128xf32, #tpu.memory_space<vmem_shared>>
    %dma_start3A_230 = arith.constant 0 : i32
    %dma_start3A_231 = arith.constant 0 : i32
    %dma_start3A_232 = tpu.memref_slice %arg7[%dma_start3A_221, %dma_start3A_230, %dma_start3A_231] : memref<3x128x128xf32, #tpu.memory_space<vmem>> -> memref<1x128x128xf32, #tpu.memory_space<vmem>>
    %dma_start3A_233 = tpu.memref_squeeze %dma_start3A_232 : memref<1x128x128xf32, #tpu.memory_space<vmem>> -> memref<128x128xf32, #tpu.memory_space<vmem>>
    tpu.enqueue_dma source(%dma_start3A_233 : memref<128x128xf32, #tpu.memory_space<vmem>>) target(%dma_start3A_229 : memref<128x128xf32, #tpu.memory_space<vmem_shared>>) target_semaphore(%arg11 : memref<!tpu.dma_semaphore, #tpu.memory_space<semaphore_mem>>)
    %mul3A_234 = arith.constant 624 : i32
    %mul3A_235 = arith.muli %arg1, %mul3A_234 : i32
    %add3A_236 = arith.constant 256 : i32
    %add3A_237 = arith.addi %mul3A_235, %add3A_236 : i32
    %dma_start3A_238 = arith.constant 2 : i32
    %dma_start3A_239 = arith.constant 0 : i32
    %dma_start3A_240 = arith.constant 0 : i32
    %dma_start3A_241 = tpu.memref_slice %arg7[%dma_start3A_238, %dma_start3A_239, %dma_start3A_240] : memref<3x128x128xf32, #tpu.memory_space<vmem>> -> memref<1x128x128xf32, #tpu.memory_space<vmem>>
    %dma_start3A_242 = tpu.memref_squeeze %dma_start3A_241 : memref<1x128x128xf32, #tpu.memory_space<vmem>> -> memref<128x128xf32, #tpu.memory_space<vmem>>
    %dma_start3A_243 = arith.constant 0 : i32
    %dma_start3A_244 = tpu.memref_slice %arg5[%add3A_237, %dma_start3A_243] : memref<10000x128xf32, #tpu.memory_space<vmem_shared>> -> memref<128x128xf32, #tpu.memory_space<vmem_shared>>
    %dma_start3A_245 = arith.constant 0 : i32
    %dma_start3A_246 = tpu.memref_slice %arg5[%add3A_237, %dma_start3A_245] : memref<10000x128xf32, #tpu.memory_space<vmem_shared>> -> memref<128x128xf32, #tpu.memory_space<vmem_shared>>
    %dma_start3A_247 = arith.constant 0 : i32
    %dma_start3A_248 = arith.constant 0 : i32
    %dma_start3A_249 = tpu.memref_slice %arg7[%dma_start3A_238, %dma_start3A_247, %dma_start3A_248] : memref<3x128x128xf32, #tpu.memory_space<vmem>> -> memref<1x128x128xf32, #tpu.memory_space<vmem>>
    %dma_start3A_250 = tpu.memref_squeeze %dma_start3A_249 : memref<1x128x128xf32, #tpu.memory_space<vmem>> -> memref<128x128xf32, #tpu.memory_space<vmem>>
    tpu.enqueue_dma source(%dma_start3A_250 : memref<128x128xf32, #tpu.memory_space<vmem>>) target(%dma_start3A_246 : memref<128x128xf32, #tpu.memory_space<vmem_shared>>) target_semaphore(%arg11 : memref<!tpu.dma_semaphore, #tpu.memory_space<semaphore_mem>>)
    %mul3A_251 = arith.constant 624 : i32
    %mul3A_252 = arith.muli %arg1, %mul3A_251 : i32
    %add3A_253 = arith.constant 384 : i32
    %add3A_254 = arith.addi %mul3A_252, %add3A_253 : i32
    %dma_start3A_255 = arith.constant 2 : i32
    %dma_start3A_256 = arith.constant 0 : i32
    %dma_start3A_257 = arith.constant 0 : i32
    %dma_start3A_258 = tpu.memref_slice %arg7[%dma_start3A_255, %dma_start3A_256, %dma_start3A_257] : memref<3x128x128xf32, #tpu.memory_space<vmem>> -> memref<1x128x128xf32, #tpu.memory_space<vmem>>
    %dma_start3A_259 = tpu.memref_squeeze %dma_start3A_258 : memref<1x128x128xf32, #tpu.memory_space<vmem>> -> memref<128x128xf32, #tpu.memory_space<vmem>>
    %dma_start3A_260 = arith.constant 0 : i32
    %dma_start3A_261 = tpu.memref_slice %arg5[%add3A_254, %dma_start3A_260] : memref<10000x128xf32, #tpu.memory_space<vmem_shared>> -> memref<128x128xf32, #tpu.memory_space<vmem_shared>>
    %dma_start3A_262 = arith.constant 0 : i32
    %dma_start3A_263 = tpu.memref_slice %arg5[%add3A_254, %dma_start3A_262] : memref<10000x128xf32, #tpu.memory_space<vmem_shared>> -> memref<128x128xf32, #tpu.memory_space<vmem_shared>>
    %dma_start3A_264 = arith.constant 0 : i32
    %dma_start3A_265 = arith.constant 0 : i32
    %dma_start3A_266 = tpu.memref_slice %arg7[%dma_start3A_255, %dma_start3A_264, %dma_start3A_265] : memref<3x128x128xf32, #tpu.memory_space<vmem>> -> memref<1x128x128xf32, #tpu.memory_space<vmem>>
    %dma_start3A_267 = tpu.memref_squeeze %dma_start3A_266 : memref<1x128x128xf32, #tpu.memory_space<vmem>> -> memref<128x128xf32, #tpu.memory_space<vmem>>
    tpu.enqueue_dma source(%dma_start3A_267 : memref<128x128xf32, #tpu.memory_space<vmem>>) target(%dma_start3A_263 : memref<128x128xf32, #tpu.memory_space<vmem_shared>>) target_semaphore(%arg11 : memref<!tpu.dma_semaphore, #tpu.memory_space<semaphore_mem>>)
    %mul3A_268 = arith.constant 624 : i32
    %mul3A_269 = arith.muli %arg1, %mul3A_268 : i32
    %add3A_270 = arith.constant 624 : i32
    %add3A_271 = arith.addi %mul3A_269, %add3A_270 : i32
    %sub3A = arith.constant 112 : i32
    %sub3A_272 = arith.subi %add3A_271, %sub3A : i32
    %dma_start3A_273 = arith.constant 2 : i32
    %dma_start3A_274 = arith.constant 0 : i32
    %dma_start3A_275 = arith.constant 0 : i32
    %dma_start3A_276 = tpu.memref_slice %arg7[%dma_start3A_273, %dma_start3A_274, %dma_start3A_275] : memref<3x128x128xf32, #tpu.memory_space<vmem>> -> memref<1x112x128xf32, #tpu.memory_space<vmem>>
    %dma_start3A_277 = tpu.memref_squeeze %dma_start3A_276 : memref<1x112x128xf32, #tpu.memory_space<vmem>> -> memref<112x128xf32, #tpu.memory_space<vmem>>
    %dma_start3A_278 = arith.constant 0 : i32
    %dma_start3A_279 = tpu.memref_slice %arg5[%sub3A_272, %dma_start3A_278] : memref<10000x128xf32, #tpu.memory_space<vmem_shared>> -> memref<112x128xf32, #tpu.memory_space<vmem_shared>>
    %dma_start3A_280 = arith.constant 0 : i32
    %dma_start3A_281 = tpu.memref_slice %arg5[%sub3A_272, %dma_start3A_280] : memref<10000x128xf32, #tpu.memory_space<vmem_shared>> -> memref<112x128xf32, #tpu.memory_space<vmem_shared>>
    %dma_start3A_282 = arith.constant 0 : i32
    %dma_start3A_283 = arith.constant 0 : i32
    %dma_start3A_284 = tpu.memref_slice %arg7[%dma_start3A_273, %dma_start3A_282, %dma_start3A_283] : memref<3x128x128xf32, #tpu.memory_space<vmem>> -> memref<1x112x128xf32, #tpu.memory_space<vmem>>
    %dma_start3A_285 = tpu.memref_squeeze %dma_start3A_284 : memref<1x112x128xf32, #tpu.memory_space<vmem>> -> memref<112x128xf32, #tpu.memory_space<vmem>>
    tpu.enqueue_dma source(%dma_start3A_285 : memref<112x128xf32, #tpu.memory_space<vmem>>) target(%dma_start3A_281 : memref<112x128xf32, #tpu.memory_space<vmem_shared>>) target_semaphore(%arg11 : memref<!tpu.dma_semaphore, #tpu.memory_space<semaphore_mem>>)
    %eq3A = arith.constant 15 : i32
    %eq3A_286 = arith.cmpi eq, %arg1, %eq3A : i32
    %convert_element_type3A = arith.extui %eq3A_286 : i1 to i32
    %cond3A = arith.constant 0 : i32
    %cond3A_287 = arith.cmpi ne, %convert_element_type3A, %cond3A : i32
    scf.if %cond3A_287 {
      %dma_start3A_471 = arith.constant 2 : i32
      %dma_start3A_472 = arith.constant 0 : i32
      %dma_start3A_473 = arith.constant 0 : i32
      %dma_start3A_474 = tpu.memref_slice %arg7[%dma_start3A_471, %dma_start3A_472, %dma_start3A_473] : memref<3x128x128xf32, #tpu.memory_space<vmem>> -> memref<1x16x128xf32, #tpu.memory_space<vmem>>
      %dma_start3A_475 = tpu.memref_squeeze %dma_start3A_474 : memref<1x16x128xf32, #tpu.memory_space<vmem>> -> memref<16x128xf32, #tpu.memory_space<vmem>>
      %dma_start3A_476 = arith.constant 9984 : i32
      %dma_start3A_477 = arith.constant 0 : i32
      %dma_start3A_478 = tpu.memref_slice %arg5[%dma_start3A_476, %dma_start3A_477] : memref<10000x128xf32, #tpu.memory_space<vmem_shared>> -> memref<16x128xf32, #tpu.memory_space<vmem_shared>>
      %dma_start3A_479 = arith.constant 9984 : i32
      %dma_start3A_480 = arith.constant 0 : i32
      %dma_start3A_481 = tpu.memref_slice %arg5[%dma_start3A_479, %dma_start3A_480] : memref<10000x128xf32, #tpu.memory_space<vmem_shared>> -> memref<16x128xf32, #tpu.memory_space<vmem_shared>>
      %dma_start3A_482 = arith.constant 0 : i32
      %dma_start3A_483 = arith.constant 0 : i32
      %dma_start3A_484 = tpu.memref_slice %arg7[%dma_start3A_471, %dma_start3A_482, %dma_start3A_483] : memref<3x128x128xf32, #tpu.memory_space<vmem>> -> memref<1x16x128xf32, #tpu.memory_space<vmem>>
      %dma_start3A_485 = tpu.memref_squeeze %dma_start3A_484 : memref<1x16x128xf32, #tpu.memory_space<vmem>> -> memref<16x128xf32, #tpu.memory_space<vmem>>
      tpu.enqueue_dma source(%dma_start3A_485 : memref<16x128xf32, #tpu.memory_space<vmem>>) target(%dma_start3A_481 : memref<16x128xf32, #tpu.memory_space<vmem_shared>>) target_semaphore(%arg11 : memref<!tpu.dma_semaphore, #tpu.memory_space<semaphore_mem>>)
    } else {
    }
    %mul3A_288 = arith.constant 624 : i32
    %mul3A_289 = arith.muli %arg1, %mul3A_288 : i32
    %dma_wait3A = arith.constant 2 : i32
    %dma_wait3A_290 = arith.constant 0 : i32
    %dma_wait3A_291 = arith.constant 0 : i32
    %dma_wait3A_292 = tpu.memref_slice %arg7[%dma_wait3A, %dma_wait3A_290, %dma_wait3A_291] : memref<3x128x128xf32, #tpu.memory_space<vmem>> -> memref<1x128x128xf32, #tpu.memory_space<vmem>>
    %dma_wait3A_293 = tpu.memref_squeeze %dma_wait3A_292 : memref<1x128x128xf32, #tpu.memory_space<vmem>> -> memref<128x128xf32, #tpu.memory_space<vmem>>
    %dma_wait3A_294 = arith.constant 0 : i32
    %dma_wait3A_295 = tpu.memref_slice %arg5[%mul3A_289, %dma_wait3A_294] : memref<10000x128xf32, #tpu.memory_space<vmem_shared>> -> memref<128x128xf32, #tpu.memory_space<vmem_shared>>
    %dma_wait3A_296 = arith.constant 0 : i32
    %dma_wait3A_297 = tpu.memref_slice %arg5[%mul3A_289, %dma_wait3A_296] : memref<10000x128xf32, #tpu.memory_space<vmem_shared>> -> memref<128x128xf32, #tpu.memory_space<vmem_shared>>
    %dma_wait3A_298 = arith.constant 0 : i32
    %dma_wait3A_299 = arith.constant 0 : i32
    %dma_wait3A_300 = tpu.memref_slice %arg7[%dma_wait3A, %dma_wait3A_298, %dma_wait3A_299] : memref<3x128x128xf32, #tpu.memory_space<vmem>> -> memref<1x128x128xf32, #tpu.memory_space<vmem>>
    %dma_wait3A_301 = tpu.memref_squeeze %dma_wait3A_300 : memref<1x128x128xf32, #tpu.memory_space<vmem>> -> memref<128x128xf32, #tpu.memory_space<vmem>>
    tpu.wait_dma2 semaphore(%arg11 : memref<!tpu.dma_semaphore, #tpu.memory_space<semaphore_mem>>) src(%dma_wait3A_301 : memref<128x128xf32, #tpu.memory_space<vmem>>) dst(%dma_wait3A_297 : memref<128x128xf32, #tpu.memory_space<vmem_shared>>)
    %mul3A_302 = arith.constant 624 : i32
    %mul3A_303 = arith.muli %arg1, %mul3A_302 : i32
    %dma_wait3A_304 = arith.constant 2 : i32
    %dma_wait3A_305 = arith.constant 0 : i32
    %dma_wait3A_306 = arith.constant 0 : i32
    %dma_wait3A_307 = tpu.memref_slice %arg7[%dma_wait3A_304, %dma_wait3A_305, %dma_wait3A_306] : memref<3x128x128xf32, #tpu.memory_space<vmem>> -> memref<1x128x128xf32, #tpu.memory_space<vmem>>
    %dma_wait3A_308 = tpu.memref_squeeze %dma_wait3A_307 : memref<1x128x128xf32, #tpu.memory_space<vmem>> -> memref<128x128xf32, #tpu.memory_space<vmem>>
    %dma_wait3A_309 = arith.constant 0 : i32
    %dma_wait3A_310 = tpu.memref_slice %arg5[%mul3A_303, %dma_wait3A_309] : memref<10000x128xf32, #tpu.memory_space<vmem_shared>> -> memref<128x128xf32, #tpu.memory_space<vmem_shared>>
    %dma_wait3A_311 = arith.constant 0 : i32
    %dma_wait3A_312 = tpu.memref_slice %arg5[%mul3A_303, %dma_wait3A_311] : memref<10000x128xf32, #tpu.memory_space<vmem_shared>> -> memref<128x128xf32, #tpu.memory_space<vmem_shared>>
    %dma_wait3A_313 = arith.constant 0 : i32
    %dma_wait3A_314 = arith.constant 0 : i32
    %dma_wait3A_315 = tpu.memref_slice %arg7[%dma_wait3A_304, %dma_wait3A_313, %dma_wait3A_314] : memref<3x128x128xf32, #tpu.memory_space<vmem>> -> memref<1x128x128xf32, #tpu.memory_space<vmem>>
    %dma_wait3A_316 = tpu.memref_squeeze %dma_wait3A_315 : memref<1x128x128xf32, #tpu.memory_space<vmem>> -> memref<128x128xf32, #tpu.memory_space<vmem>>
    tpu.wait_dma2 semaphore(%arg11 : memref<!tpu.dma_semaphore, #tpu.memory_space<semaphore_mem>>) src(%dma_wait3A_316 : memref<128x128xf32, #tpu.memory_space<vmem>>) dst(%dma_wait3A_312 : memref<128x128xf32, #tpu.memory_space<vmem_shared>>)
    %mul3A_317 = arith.constant 624 : i32
    %mul3A_318 = arith.muli %arg1, %mul3A_317 : i32
    %dma_wait3A_319 = arith.constant 2 : i32
    %dma_wait3A_320 = arith.constant 0 : i32
    %dma_wait3A_321 = arith.constant 0 : i32
    %dma_wait3A_322 = tpu.memref_slice %arg7[%dma_wait3A_319, %dma_wait3A_320, %dma_wait3A_321] : memref<3x128x128xf32, #tpu.memory_space<vmem>> -> memref<1x128x128xf32, #tpu.memory_space<vmem>>
    %dma_wait3A_323 = tpu.memref_squeeze %dma_wait3A_322 : memref<1x128x128xf32, #tpu.memory_space<vmem>> -> memref<128x128xf32, #tpu.memory_space<vmem>>
    %dma_wait3A_324 = arith.constant 0 : i32
    %dma_wait3A_325 = tpu.memref_slice %arg5[%mul3A_318, %dma_wait3A_324] : memref<10000x128xf32, #tpu.memory_space<vmem_shared>> -> memref<128x128xf32, #tpu.memory_space<vmem_shared>>
    %dma_wait3A_326 = arith.constant 0 : i32
    %dma_wait3A_327 = tpu.memref_slice %arg5[%mul3A_318, %dma_wait3A_326] : memref<10000x128xf32, #tpu.memory_space<vmem_shared>> -> memref<128x128xf32, #tpu.memory_space<vmem_shared>>
    %dma_wait3A_328 = arith.constant 0 : i32
    %dma_wait3A_329 = arith.constant 0 : i32
    %dma_wait3A_330 = tpu.memref_slice %arg7[%dma_wait3A_319, %dma_wait3A_328, %dma_wait3A_329] : memref<3x128x128xf32, #tpu.memory_space<vmem>> -> memref<1x128x128xf32, #tpu.memory_space<vmem>>
    %dma_wait3A_331 = tpu.memref_squeeze %dma_wait3A_330 : memref<1x128x128xf32, #tpu.memory_space<vmem>> -> memref<128x128xf32, #tpu.memory_space<vmem>>
    tpu.wait_dma2 semaphore(%arg11 : memref<!tpu.dma_semaphore, #tpu.memory_space<semaphore_mem>>) src(%dma_wait3A_331 : memref<128x128xf32, #tpu.memory_space<vmem>>) dst(%dma_wait3A_327 : memref<128x128xf32, #tpu.memory_space<vmem_shared>>)
    %mul3A_332 = arith.constant 624 : i32
    %mul3A_333 = arith.muli %arg1, %mul3A_332 : i32
    %dma_wait3A_334 = arith.constant 2 : i32
    %dma_wait3A_335 = arith.constant 0 : i32
    %dma_wait3A_336 = arith.constant 0 : i32
    %dma_wait3A_337 = tpu.memref_slice %arg7[%dma_wait3A_334, %dma_wait3A_335, %dma_wait3A_336] : memref<3x128x128xf32, #tpu.memory_space<vmem>> -> memref<1x128x128xf32, #tpu.memory_space<vmem>>
    %dma_wait3A_338 = tpu.memref_squeeze %dma_wait3A_337 : memref<1x128x128xf32, #tpu.memory_space<vmem>> -> memref<128x128xf32, #tpu.memory_space<vmem>>
    %dma_wait3A_339 = arith.constant 0 : i32
    %dma_wait3A_340 = tpu.memref_slice %arg5[%mul3A_333, %dma_wait3A_339] : memref<10000x128xf32, #tpu.memory_space<vmem_shared>> -> memref<128x128xf32, #tpu.memory_space<vmem_shared>>
    %dma_wait3A_341 = arith.constant 0 : i32
    %dma_wait3A_342 = tpu.memref_slice %arg5[%mul3A_333, %dma_wait3A_341] : memref<10000x128xf32, #tpu.memory_space<vmem_shared>> -> memref<128x128xf32, #tpu.memory_space<vmem_shared>>
    %dma_wait3A_343 = arith.constant 0 : i32
    %dma_wait3A_344 = arith.constant 0 : i32
    %dma_wait3A_345 = tpu.memref_slice %arg7[%dma_wait3A_334, %dma_wait3A_343, %dma_wait3A_344] : memref<3x128x128xf32, #tpu.memory_space<vmem>> -> memref<1x128x128xf32, #tpu.memory_space<vmem>>
    %dma_wait3A_346 = tpu.memref_squeeze %dma_wait3A_345 : memref<1x128x128xf32, #tpu.memory_space<vmem>> -> memref<128x128xf32, #tpu.memory_space<vmem>>
    tpu.wait_dma2 semaphore(%arg11 : memref<!tpu.dma_semaphore, #tpu.memory_space<semaphore_mem>>) src(%dma_wait3A_346 : memref<128x128xf32, #tpu.memory_space<vmem>>) dst(%dma_wait3A_342 : memref<128x128xf32, #tpu.memory_space<vmem_shared>>)
    %dma_wait3A_347 = arith.constant 2 : i32
    %dma_wait3A_348 = arith.constant 0 : i32
    %dma_wait3A_349 = arith.constant 0 : i32
    %dma_wait3A_350 = tpu.memref_slice %arg7[%dma_wait3A_347, %dma_wait3A_348, %dma_wait3A_349] : memref<3x128x128xf32, #tpu.memory_space<vmem>> -> memref<1x112x128xf32, #tpu.memory_space<vmem>>
    %dma_wait3A_351 = tpu.memref_squeeze %dma_wait3A_350 : memref<1x112x128xf32, #tpu.memory_space<vmem>> -> memref<112x128xf32, #tpu.memory_space<vmem>>
    %dma_wait3A_352 = arith.constant 0 : i32
    %dma_wait3A_353 = arith.constant 0 : i32
    %dma_wait3A_354 = tpu.memref_slice %arg5[%dma_wait3A_352, %dma_wait3A_353] : memref<10000x128xf32, #tpu.memory_space<vmem_shared>> -> memref<112x128xf32, #tpu.memory_space<vmem_shared>>
    %dma_wait3A_355 = arith.constant 0 : i32
    %dma_wait3A_356 = arith.constant 0 : i32
    %dma_wait3A_357 = tpu.memref_slice %arg5[%dma_wait3A_355, %dma_wait3A_356] : memref<10000x128xf32, #tpu.memory_space<vmem_shared>> -> memref<112x128xf32, #tpu.memory_space<vmem_shared>>
    %dma_wait3A_358 = arith.constant 0 : i32
    %dma_wait3A_359 = arith.constant 0 : i32
    %dma_wait3A_360 = tpu.memref_slice %arg7[%dma_wait3A_347, %dma_wait3A_358, %dma_wait3A_359] : memref<3x128x128xf32, #tpu.memory_space<vmem>> -> memref<1x112x128xf32, #tpu.memory_space<vmem>>
    %dma_wait3A_361 = tpu.memref_squeeze %dma_wait3A_360 : memref<1x112x128xf32, #tpu.memory_space<vmem>> -> memref<112x128xf32, #tpu.memory_space<vmem>>
    tpu.wait_dma2 semaphore(%arg11 : memref<!tpu.dma_semaphore, #tpu.memory_space<semaphore_mem>>) src(%dma_wait3A_361 : memref<112x128xf32, #tpu.memory_space<vmem>>) dst(%dma_wait3A_357 : memref<112x128xf32, #tpu.memory_space<vmem_shared>>)
    %eq3A_362 = arith.constant 15 : i32
    %eq3A_363 = arith.cmpi eq, %arg1, %eq3A_362 : i32
    %convert_element_type3A_364 = arith.extui %eq3A_363 : i1 to i32
    %cond3A_365 = arith.constant 0 : i32
    %cond3A_366 = arith.cmpi ne, %convert_element_type3A_364, %cond3A_365 : i32
    scf.if %cond3A_366 {
      %dma_wait3A_471 = arith.constant 2 : i32
      %dma_wait3A_472 = arith.constant 0 : i32
      %dma_wait3A_473 = arith.constant 0 : i32
      %dma_wait3A_474 = tpu.memref_slice %arg7[%dma_wait3A_471, %dma_wait3A_472, %dma_wait3A_473] : memref<3x128x128xf32, #tpu.memory_space<vmem>> -> memref<1x16x128xf32, #tpu.memory_space<vmem>>
      %dma_wait3A_475 = tpu.memref_squeeze %dma_wait3A_474 : memref<1x16x128xf32, #tpu.memory_space<vmem>> -> memref<16x128xf32, #tpu.memory_space<vmem>>
      %dma_wait3A_476 = arith.constant 0 : i32
      %dma_wait3A_477 = arith.constant 0 : i32
      %dma_wait3A_478 = tpu.memref_slice %arg5[%dma_wait3A_476, %dma_wait3A_477] : memref<10000x128xf32, #tpu.memory_space<vmem_shared>> -> memref<16x128xf32, #tpu.memory_space<vmem_shared>>
      %dma_wait3A_479 = arith.constant 0 : i32
      %dma_wait3A_480 = arith.constant 0 : i32
      %dma_wait3A_481 = tpu.memref_slice %arg5[%dma_wait3A_479, %dma_wait3A_480] : memref<10000x128xf32, #tpu.memory_space<vmem_shared>> -> memref<16x128xf32, #tpu.memory_space<vmem_shared>>
      %dma_wait3A_482 = arith.constant 0 : i32
      %dma_wait3A_483 = arith.constant 0 : i32
      %dma_wait3A_484 = tpu.memref_slice %arg7[%dma_wait3A_471, %dma_wait3A_482, %dma_wait3A_483] : memref<3x128x128xf32, #tpu.memory_space<vmem>> -> memref<1x16x128xf32, #tpu.memory_space<vmem>>
      %dma_wait3A_485 = tpu.memref_squeeze %dma_wait3A_484 : memref<1x16x128xf32, #tpu.memory_space<vmem>> -> memref<16x128xf32, #tpu.memory_space<vmem>>
      tpu.wait_dma2 semaphore(%arg11 : memref<!tpu.dma_semaphore, #tpu.memory_space<semaphore_mem>>) src(%dma_wait3A_485 : memref<16x128xf32, #tpu.memory_space<vmem>>) dst(%dma_wait3A_481 : memref<16x128xf32, #tpu.memory_space<vmem_shared>>)
    } else {
    }
    %dma_wait3A_367 = arith.constant 0 : i32
    %dma_wait3A_368 = arith.constant 0 : i32
    %dma_wait3A_369 = arith.constant 0 : i32
    %dma_wait3A_370 = tpu.memref_slice %arg6[%dma_wait3A_367, %dma_wait3A_368, %dma_wait3A_369] : memref<6x2x128xi32, #tpu.memory_space<vmem>> -> memref<1x2x128xi32, #tpu.memory_space<vmem>>
    %dma_wait3A_371 = tpu.memref_squeeze %dma_wait3A_370 : memref<1x2x128xi32, #tpu.memory_space<vmem>> -> memref<2x128xi32, #tpu.memory_space<vmem>>
    %dma_wait3A_372 = arith.constant 0 : i32
    %dma_wait3A_373 = arith.constant 0 : i32
    %dma_wait3A_374 = tpu.memref_slice %arg3[%dma_wait3A_372, %dma_wait3A_373] : memref<2x320000xi32, #tpu.memory_space<hbm>> -> memref<2x128xi32, #tpu.memory_space<hbm>>
    %dma_wait3A_375 = arith.constant 0 : i32
    %dma_wait3A_376 = arith.constant 0 : i32
    %dma_wait3A_377 = tpu.memref_slice %arg6[%dma_wait3A_367, %dma_wait3A_375, %dma_wait3A_376] : memref<6x2x128xi32, #tpu.memory_space<vmem>> -> memref<1x2x128xi32, #tpu.memory_space<vmem>>
    %dma_wait3A_378 = tpu.memref_squeeze %dma_wait3A_377 : memref<1x2x128xi32, #tpu.memory_space<vmem>> -> memref<2x128xi32, #tpu.memory_space<vmem>>
    %dma_wait3A_379 = arith.constant 0 : i32
    %dma_wait3A_380 = arith.constant 0 : i32
    %dma_wait3A_381 = tpu.memref_slice %arg3[%dma_wait3A_379, %dma_wait3A_380] : memref<2x320000xi32, #tpu.memory_space<hbm>> -> memref<2x128xi32, #tpu.memory_space<hbm>>
    tpu.wait_dma2 semaphore(%arg14 : memref<!tpu.dma_semaphore, #tpu.memory_space<semaphore_mem>>) src(%dma_wait3A_381 : memref<2x128xi32, #tpu.memory_space<hbm>>) dst(%dma_wait3A_378 : memref<2x128xi32, #tpu.memory_space<vmem>>)
    %dma_start3A_382 = arith.constant 0 : i32
    %dma_start3A_383 = arith.constant 0 : i32
    %dma_start3A_384 = arith.constant 0 : i32
    %dma_start3A_385 = arith.constant 0 : i32
    %dma_start3A_386 = arith.constant 0 : i32
    %dma_start3A_387 = tpu.memref_slice %arg7[%dma_start3A_384, %dma_start3A_385, %dma_start3A_386] : memref<3x128x128xf32, #tpu.memory_space<vmem>> -> memref<1x128x128xf32, #tpu.memory_space<vmem>>
    %dma_start3A_388 = tpu.memref_squeeze %dma_start3A_387 : memref<1x128x128xf32, #tpu.memory_space<vmem>> -> memref<128x128xf32, #tpu.memory_space<vmem>>
    %dma_start3A_389 = arith.constant 0 : i32
    %dma_start3A_390 = tpu.memref_slice %arg6[%dma_start3A_382, %dma_start3A_383, %dma_start3A_389] : memref<6x2x128xi32, #tpu.memory_space<vmem>> -> memref<1x1x128xi32, #tpu.memory_space<vmem>>
    %dma_start3A_391 = tpu.memref_squeeze %dma_start3A_390 : memref<1x1x128xi32, #tpu.memory_space<vmem>> -> memref<128xi32, #tpu.memory_space<vmem>>
    %dma_start3A_392 = arith.constant 0 : i32
    %dma_start3A_393 = arith.constant 0 : i32
    %dma_start3A_394 = tpu.memref_slice %arg2[%dma_start3A_392, %dma_start3A_393] : memref<10000x128xf32, #tpu.memory_space<hbm>> -> memref<10000x128xf32, #tpu.memory_space<hbm>>
    tpu.enqueue_indirect_dma source(%dma_start3A_394 : memref<10000x128xf32, #tpu.memory_space<hbm>>) target(%dma_start3A_388 : memref<128x128xf32, #tpu.memory_space<vmem>>) offsets(%dma_start3A_391 : memref<128xi32, #tpu.memory_space<vmem>>) semaphore(%arg8 : memref<!tpu.dma_semaphore, #tpu.memory_space<semaphore_mem>>)
    %dma_wait3A_395 = arith.constant 1 : i32
    %dma_wait3A_396 = arith.constant 0 : i32
    %dma_wait3A_397 = arith.constant 0 : i32
    %dma_wait3A_398 = tpu.memref_slice %arg6[%dma_wait3A_395, %dma_wait3A_396, %dma_wait3A_397] : memref<6x2x128xi32, #tpu.memory_space<vmem>> -> memref<1x2x128xi32, #tpu.memory_space<vmem>>
    %dma_wait3A_399 = tpu.memref_squeeze %dma_wait3A_398 : memref<1x2x128xi32, #tpu.memory_space<vmem>> -> memref<2x128xi32, #tpu.memory_space<vmem>>
    %dma_wait3A_400 = arith.constant 0 : i32
    %dma_wait3A_401 = arith.constant 0 : i32
    %dma_wait3A_402 = tpu.memref_slice %arg3[%dma_wait3A_400, %dma_wait3A_401] : memref<2x320000xi32, #tpu.memory_space<hbm>> -> memref<2x128xi32, #tpu.memory_space<hbm>>
    %dma_wait3A_403 = arith.constant 0 : i32
    %dma_wait3A_404 = arith.constant 0 : i32
    %dma_wait3A_405 = tpu.memref_slice %arg6[%dma_wait3A_395, %dma_wait3A_403, %dma_wait3A_404] : memref<6x2x128xi32, #tpu.memory_space<vmem>> -> memref<1x2x128xi32, #tpu.memory_space<vmem>>
    %dma_wait3A_406 = tpu.memref_squeeze %dma_wait3A_405 : memref<1x2x128xi32, #tpu.memory_space<vmem>> -> memref<2x128xi32, #tpu.memory_space<vmem>>
    %dma_wait3A_407 = arith.constant 0 : i32
    %dma_wait3A_408 = arith.constant 0 : i32
    %dma_wait3A_409 = tpu.memref_slice %arg3[%dma_wait3A_407, %dma_wait3A_408] : memref<2x320000xi32, #tpu.memory_space<hbm>> -> memref<2x128xi32, #tpu.memory_space<hbm>>
    tpu.wait_dma2 semaphore(%arg15 : memref<!tpu.dma_semaphore, #tpu.memory_space<semaphore_mem>>) src(%dma_wait3A_409 : memref<2x128xi32, #tpu.memory_space<hbm>>) dst(%dma_wait3A_406 : memref<2x128xi32, #tpu.memory_space<vmem>>)
    %dma_start3A_410 = arith.constant 1 : i32
    %dma_start3A_411 = arith.constant 0 : i32
    %dma_start3A_412 = arith.constant 1 : i32
    %dma_start3A_413 = arith.constant 0 : i32
    %dma_start3A_414 = arith.constant 0 : i32
    %dma_start3A_415 = tpu.memref_slice %arg7[%dma_start3A_412, %dma_start3A_413, %dma_start3A_414] : memref<3x128x128xf32, #tpu.memory_space<vmem>> -> memref<1x128x128xf32, #tpu.memory_space<vmem>>
    %dma_start3A_416 = tpu.memref_squeeze %dma_start3A_415 : memref<1x128x128xf32, #tpu.memory_space<vmem>> -> memref<128x128xf32, #tpu.memory_space<vmem>>
    %dma_start3A_417 = arith.constant 0 : i32
    %dma_start3A_418 = tpu.memref_slice %arg6[%dma_start3A_410, %dma_start3A_411, %dma_start3A_417] : memref<6x2x128xi32, #tpu.memory_space<vmem>> -> memref<1x1x128xi32, #tpu.memory_space<vmem>>
    %dma_start3A_419 = tpu.memref_squeeze %dma_start3A_418 : memref<1x1x128xi32, #tpu.memory_space<vmem>> -> memref<128xi32, #tpu.memory_space<vmem>>
    %dma_start3A_420 = arith.constant 0 : i32
    %dma_start3A_421 = arith.constant 0 : i32
    %dma_start3A_422 = tpu.memref_slice %arg2[%dma_start3A_420, %dma_start3A_421] : memref<10000x128xf32, #tpu.memory_space<hbm>> -> memref<10000x128xf32, #tpu.memory_space<hbm>>
    tpu.enqueue_indirect_dma source(%dma_start3A_422 : memref<10000x128xf32, #tpu.memory_space<hbm>>) target(%dma_start3A_416 : memref<128x128xf32, #tpu.memory_space<vmem>>) offsets(%dma_start3A_419 : memref<128xi32, #tpu.memory_space<vmem>>) semaphore(%arg9 : memref<!tpu.dma_semaphore, #tpu.memory_space<semaphore_mem>>)
    %dma_wait3A_423 = arith.constant 2 : i32
    %dma_wait3A_424 = arith.constant 0 : i32
    %dma_wait3A_425 = arith.constant 0 : i32
    %dma_wait3A_426 = tpu.memref_slice %arg6[%dma_wait3A_423, %dma_wait3A_424, %dma_wait3A_425] : memref<6x2x128xi32, #tpu.memory_space<vmem>> -> memref<1x2x128xi32, #tpu.memory_space<vmem>>
    %dma_wait3A_427 = tpu.memref_squeeze %dma_wait3A_426 : memref<1x2x128xi32, #tpu.memory_space<vmem>> -> memref<2x128xi32, #tpu.memory_space<vmem>>
    %dma_wait3A_428 = arith.constant 0 : i32
    %dma_wait3A_429 = arith.constant 0 : i32
    %dma_wait3A_430 = tpu.memref_slice %arg3[%dma_wait3A_428, %dma_wait3A_429] : memref<2x320000xi32, #tpu.memory_space<hbm>> -> memref<2x128xi32, #tpu.memory_space<hbm>>
    %dma_wait3A_431 = arith.constant 0 : i32
    %dma_wait3A_432 = arith.constant 0 : i32
    %dma_wait3A_433 = tpu.memref_slice %arg6[%dma_wait3A_423, %dma_wait3A_431, %dma_wait3A_432] : memref<6x2x128xi32, #tpu.memory_space<vmem>> -> memref<1x2x128xi32, #tpu.memory_space<vmem>>
    %dma_wait3A_434 = tpu.memref_squeeze %dma_wait3A_433 : memref<1x2x128xi32, #tpu.memory_space<vmem>> -> memref<2x128xi32, #tpu.memory_space<vmem>>
    %dma_wait3A_435 = arith.constant 0 : i32
    %dma_wait3A_436 = arith.constant 0 : i32
    %dma_wait3A_437 = tpu.memref_slice %arg3[%dma_wait3A_435, %dma_wait3A_436] : memref<2x320000xi32, #tpu.memory_space<hbm>> -> memref<2x128xi32, #tpu.memory_space<hbm>>
    tpu.wait_dma2 semaphore(%arg16 : memref<!tpu.dma_semaphore, #tpu.memory_space<semaphore_mem>>) src(%dma_wait3A_437 : memref<2x128xi32, #tpu.memory_space<hbm>>) dst(%dma_wait3A_434 : memref<2x128xi32, #tpu.memory_space<vmem>>)
    %dma_start3A_438 = arith.constant 2 : i32
    %dma_start3A_439 = arith.constant 0 : i32
    %dma_start3A_440 = arith.constant 2 : i32
    %dma_start3A_441 = arith.constant 0 : i32
    %dma_start3A_442 = arith.constant 0 : i32
    %dma_start3A_443 = tpu.memref_slice %arg7[%dma_start3A_440, %dma_start3A_441, %dma_start3A_442] : memref<3x128x128xf32, #tpu.memory_space<vmem>> -> memref<1x128x128xf32, #tpu.memory_space<vmem>>
    %dma_start3A_444 = tpu.memref_squeeze %dma_start3A_443 : memref<1x128x128xf32, #tpu.memory_space<vmem>> -> memref<128x128xf32, #tpu.memory_space<vmem>>
    %dma_start3A_445 = arith.constant 0 : i32
    %dma_start3A_446 = tpu.memref_slice %arg6[%dma_start3A_438, %dma_start3A_439, %dma_start3A_445] : memref<6x2x128xi32, #tpu.memory_space<vmem>> -> memref<1x1x128xi32, #tpu.memory_space<vmem>>
    %dma_start3A_447 = tpu.memref_squeeze %dma_start3A_446 : memref<1x1x128xi32, #tpu.memory_space<vmem>> -> memref<128xi32, #tpu.memory_space<vmem>>
    %dma_start3A_448 = arith.constant 0 : i32
    %dma_start3A_449 = arith.constant 0 : i32
    %dma_start3A_450 = tpu.memref_slice %arg2[%dma_start3A_448, %dma_start3A_449] : memref<10000x128xf32, #tpu.memory_space<hbm>> -> memref<10000x128xf32, #tpu.memory_space<hbm>>
    tpu.enqueue_indirect_dma source(%dma_start3A_450 : memref<10000x128xf32, #tpu.memory_space<hbm>>) target(%dma_start3A_444 : memref<128x128xf32, #tpu.memory_space<vmem>>) offsets(%dma_start3A_447 : memref<128xi32, #tpu.memory_space<vmem>>) semaphore(%arg10 : memref<!tpu.dma_semaphore, #tpu.memory_space<semaphore_mem>>)
    %barrier3A = arith.constant 0 : index
    tpu.barrier barrier_id(%barrier3A)
    %scan3A_451 = arith.constant 0 : i32
    %scan3A_452 = arith.constant 0 : i32
    %scan3A_453 = arith.constant 13 : i32
    %scan3A_454 = arith.addi %scan3A_452, %scan3A_453 : i32
    %scan3A_455 = arith.constant 1 : i32
    scf.for %scan3A_471 = %scan3A_452 to %scan3A_454 step %scan3A_455  : i32 {
      %mul3A_472 = arith.constant 6 : i32
      %mul3A_473 = arith.muli %scan3A_471, %mul3A_472 : i32
      %add3A_474 = arith.constant 0 : i32
      %add3A_475 = arith.addi %mul3A_473, %add3A_474 : i32
      %dma_wait3A_476 = arith.constant 0 : i32
      %dma_wait3A_477 = arith.constant 0 : i32
      %dma_wait3A_478 = arith.constant 0 : i32
      %dma_wait3A_479 = arith.constant 0 : i32
      %dma_wait3A_480 = arith.constant 0 : i32
      %dma_wait3A_481 = tpu.memref_slice %arg7[%dma_wait3A_478, %dma_wait3A_479, %dma_wait3A_480] : memref<3x128x128xf32, #tpu.memory_space<vmem>> -> memref<1x128x128xf32, #tpu.memory_space<vmem>>
      %dma_wait3A_482 = tpu.memref_squeeze %dma_wait3A_481 : memref<1x128x128xf32, #tpu.memory_space<vmem>> -> memref<128x128xf32, #tpu.memory_space<vmem>>
      %dma_wait3A_483 = arith.constant 0 : i32
      %dma_wait3A_484 = tpu.memref_slice %arg6[%dma_wait3A_476, %dma_wait3A_477, %dma_wait3A_483] : memref<6x2x128xi32, #tpu.memory_space<vmem>> -> memref<1x1x128xi32, #tpu.memory_space<vmem>>
      %dma_wait3A_485 = tpu.memref_squeeze %dma_wait3A_484 : memref<1x1x128xi32, #tpu.memory_space<vmem>> -> memref<128xi32, #tpu.memory_space<vmem>>
      %dma_wait3A_486 = arith.constant 0 : i32
      %dma_wait3A_487 = arith.constant 0 : i32
      %dma_wait3A_488 = tpu.memref_slice %arg2[%dma_wait3A_486, %dma_wait3A_487] : memref<10000x128xf32, #tpu.memory_space<hbm>> -> memref<10000x128xf32, #tpu.memory_space<hbm>>
      tpu.wait_indirect_dma semaphore(%arg8 : memref<!tpu.dma_semaphore, #tpu.memory_space<semaphore_mem>>) src(%dma_wait3A_488 : memref<10000x128xf32, #tpu.memory_space<hbm>>) dst(%dma_wait3A_482 : memref<128x128xf32, #tpu.memory_space<vmem>>)
      %dma_start3A_489 = arith.constant 0 : i32
      %dma_start3A_490 = arith.constant 0 : i32
      %dma_start3A_491 = arith.constant 1 : i32
      %dma_start3A_492 = arith.constant 0 : i32
      %dma_start3A_493 = arith.constant 0 : i32
      %dma_start3A_494 = tpu.memref_slice %arg7[%dma_start3A_489, %dma_start3A_492, %dma_start3A_493] : memref<3x128x128xf32, #tpu.memory_space<vmem>> -> memref<1x128x128xf32, #tpu.memory_space<vmem>>
      %dma_start3A_495 = tpu.memref_squeeze %dma_start3A_494 : memref<1x128x128xf32, #tpu.memory_space<vmem>> -> memref<128x128xf32, #tpu.memory_space<vmem>>
      %dma_start3A_496 = arith.constant 0 : i32
      %dma_start3A_497 = tpu.memref_slice %arg6[%dma_start3A_490, %dma_start3A_491, %dma_start3A_496] : memref<6x2x128xi32, #tpu.memory_space<vmem>> -> memref<1x1x128xi32, #tpu.memory_space<vmem>>
      %dma_start3A_498 = tpu.memref_squeeze %dma_start3A_497 : memref<1x1x128xi32, #tpu.memory_space<vmem>> -> memref<128xi32, #tpu.memory_space<vmem>>
      %dma_start3A_499 = arith.constant 0 : i32
      %dma_start3A_500 = arith.constant 0 : i32
      %dma_start3A_501 = tpu.memref_slice %arg5[%dma_start3A_499, %dma_start3A_500] : memref<10000x128xf32, #tpu.memory_space<vmem_shared>> -> memref<10000x128xf32, #tpu.memory_space<vmem_shared>>
      tpu.enqueue_indirect_dma source(%dma_start3A_495 : memref<128x128xf32, #tpu.memory_space<vmem>>) target(%dma_start3A_501 : memref<10000x128xf32, #tpu.memory_space<vmem_shared>>) offsets(%dma_start3A_498 : memref<128xi32, #tpu.memory_space<vmem>>) semaphore(%arg11 : memref<!tpu.dma_semaphore, #tpu.memory_space<semaphore_mem>>) {add = true}
      %dma_wait3A_502 = arith.constant 0 : i32
      %dma_wait3A_503 = arith.constant 0 : i32
      %dma_wait3A_504 = arith.constant 1 : i32
      %dma_wait3A_505 = arith.constant 0 : i32
      %dma_wait3A_506 = arith.constant 0 : i32
      %dma_wait3A_507 = tpu.memref_slice %arg7[%dma_wait3A_502, %dma_wait3A_505, %dma_wait3A_506] : memref<3x128x128xf32, #tpu.memory_space<vmem>> -> memref<1x128x128xf32, #tpu.memory_space<vmem>>
      %dma_wait3A_508 = tpu.memref_squeeze %dma_wait3A_507 : memref<1x128x128xf32, #tpu.memory_space<vmem>> -> memref<128x128xf32, #tpu.memory_space<vmem>>
      %dma_wait3A_509 = arith.constant 0 : i32
      %dma_wait3A_510 = tpu.memref_slice %arg6[%dma_wait3A_503, %dma_wait3A_504, %dma_wait3A_509] : memref<6x2x128xi32, #tpu.memory_space<vmem>> -> memref<1x1x128xi32, #tpu.memory_space<vmem>>
      %dma_wait3A_511 = tpu.memref_squeeze %dma_wait3A_510 : memref<1x1x128xi32, #tpu.memory_space<vmem>> -> memref<128xi32, #tpu.memory_space<vmem>>
      %dma_wait3A_512 = arith.constant 0 : i32
      %dma_wait3A_513 = arith.constant 0 : i32
      %dma_wait3A_514 = tpu.memref_slice %arg5[%dma_wait3A_512, %dma_wait3A_513] : memref<10000x128xf32, #tpu.memory_space<vmem_shared>> -> memref<10000x128xf32, #tpu.memory_space<vmem_shared>>
      tpu.wait_indirect_dma semaphore(%arg11 : memref<!tpu.dma_semaphore, #tpu.memory_space<semaphore_mem>>) src(%dma_wait3A_508 : memref<128x128xf32, #tpu.memory_space<vmem>>) dst(%dma_wait3A_514 : memref<10000x128xf32, #tpu.memory_space<vmem_shared>>)
      %lt3A_515 = arith.constant 12 : i32
      %lt3A_516 = arith.cmpi slt, %scan3A_471, %lt3A_515 : i32
      %convert_element_type3A_517 = arith.extui %lt3A_516 : i1 to i32
      %cond3A_518 = arith.constant 0 : i32
      %cond3A_519 = arith.cmpi ne, %convert_element_type3A_517, %cond3A_518 : i32
      scf.if %cond3A_519 {
        %add3A_849 = arith.addi %mul3A_2, %add3A_475 : i32
        %add3A_850 = arith.constant 6 : i32
        %add3A_851 = arith.addi %add3A_849, %add3A_850 : i32
        %mul3A_852 = arith.constant 128 : i32
        %mul3A_853 = arith.muli %add3A_851, %mul3A_852 : i32
        %dma_start3A_854 = arith.constant 0 : i32
        %dma_start3A_855 = arith.constant 0 : i32
        %dma_start3A_856 = arith.constant 1 : i32
        %dma_start3A_857 = arith.constant 0 : i32
        %dma_start3A_858 = tpu.memref_slice %arg6[%dma_start3A_855, %dma_start3A_856, %dma_start3A_857] : memref<6x2x128xi32, #tpu.memory_space<vmem>> -> memref<1x1x128xi32, #tpu.memory_space<vmem>>
        %dma_start3A_859 = tpu.memref_squeeze %dma_start3A_858 : memref<1x1x128xi32, #tpu.memory_space<vmem>> -> memref<128xi32, #tpu.memory_space<vmem>>
        %dma_start3A_860 = tpu.memref_slice %arg3[%dma_start3A_854, %mul3A_853] : memref<2x320000xi32, #tpu.memory_space<hbm>> -> memref<1x128xi32, #tpu.memory_space<hbm>>
        %dma_start3A_861 = tpu.memref_squeeze %dma_start3A_860 : memref<1x128xi32, #tpu.memory_space<hbm>> -> memref<128xi32, #tpu.memory_space<hbm>>
        %dma_start3A_862 = arith.constant 0 : i32
        %dma_start3A_863 = tpu.memref_slice %arg6[%dma_start3A_855, %dma_start3A_856, %dma_start3A_862] : memref<6x2x128xi32, #tpu.memory_space<vmem>> -> memref<1x1x128xi32, #tpu.memory_space<vmem>>
        %dma_start3A_864 = tpu.memref_squeeze %dma_start3A_863 : memref<1x1x128xi32, #tpu.memory_space<vmem>> -> memref<128xi32, #tpu.memory_space<vmem>>
        %dma_start3A_865 = tpu.memref_slice %arg3[%dma_start3A_854, %mul3A_853] : memref<2x320000xi32, #tpu.memory_space<hbm>> -> memref<1x128xi32, #tpu.memory_space<hbm>>
        %dma_start3A_866 = tpu.memref_squeeze %dma_start3A_865 : memref<1x128xi32, #tpu.memory_space<hbm>> -> memref<128xi32, #tpu.memory_space<hbm>>
        tpu.enqueue_dma source(%dma_start3A_866 : memref<128xi32, #tpu.memory_space<hbm>>) target(%dma_start3A_864 : memref<128xi32, #tpu.memory_space<vmem>>) target_semaphore(%arg14 : memref<!tpu.dma_semaphore, #tpu.memory_space<semaphore_mem>>)
        %mul3A_867 = arith.constant 128 : i32
        %mul3A_868 = arith.muli %add3A_851, %mul3A_867 : i32
        %dma_start3A_869 = arith.constant 1 : i32
        %dma_start3A_870 = arith.constant 0 : i32
        %dma_start3A_871 = arith.constant 0 : i32
        %dma_start3A_872 = arith.constant 0 : i32
        %dma_start3A_873 = tpu.memref_slice %arg6[%dma_start3A_870, %dma_start3A_871, %dma_start3A_872] : memref<6x2x128xi32, #tpu.memory_space<vmem>> -> memref<1x1x128xi32, #tpu.memory_space<vmem>>
        %dma_start3A_874 = tpu.memref_squeeze %dma_start3A_873 : memref<1x1x128xi32, #tpu.memory_space<vmem>> -> memref<128xi32, #tpu.memory_space<vmem>>
        %dma_start3A_875 = tpu.memref_slice %arg3[%dma_start3A_869, %mul3A_868] : memref<2x320000xi32, #tpu.memory_space<hbm>> -> memref<1x128xi32, #tpu.memory_space<hbm>>
        %dma_start3A_876 = tpu.memref_squeeze %dma_start3A_875 : memref<1x128xi32, #tpu.memory_space<hbm>> -> memref<128xi32, #tpu.memory_space<hbm>>
        %dma_start3A_877 = arith.constant 0 : i32
        %dma_start3A_878 = tpu.memref_slice %arg6[%dma_start3A_870, %dma_start3A_871, %dma_start3A_877] : memref<6x2x128xi32, #tpu.memory_space<vmem>> -> memref<1x1x128xi32, #tpu.memory_space<vmem>>
        %dma_start3A_879 = tpu.memref_squeeze %dma_start3A_878 : memref<1x1x128xi32, #tpu.memory_space<vmem>> -> memref<128xi32, #tpu.memory_space<vmem>>
        %dma_start3A_880 = tpu.memref_slice %arg3[%dma_start3A_869, %mul3A_868] : memref<2x320000xi32, #tpu.memory_space<hbm>> -> memref<1x128xi32, #tpu.memory_space<hbm>>
        %dma_start3A_881 = tpu.memref_squeeze %dma_start3A_880 : memref<1x128xi32, #tpu.memory_space<hbm>> -> memref<128xi32, #tpu.memory_space<hbm>>
        tpu.enqueue_dma source(%dma_start3A_881 : memref<128xi32, #tpu.memory_space<hbm>>) target(%dma_start3A_879 : memref<128xi32, #tpu.memory_space<vmem>>) target_semaphore(%arg14 : memref<!tpu.dma_semaphore, #tpu.memory_space<semaphore_mem>>)
      } else {
      }
      %dma_wait3A_520 = arith.constant 3 : i32
      %dma_wait3A_521 = arith.constant 0 : i32
      %dma_wait3A_522 = arith.constant 0 : i32
      %dma_wait3A_523 = tpu.memref_slice %arg6[%dma_wait3A_520, %dma_wait3A_521, %dma_wait3A_522] : memref<6x2x128xi32, #tpu.memory_space<vmem>> -> memref<1x2x128xi32, #tpu.memory_space<vmem>>
      %dma_wait3A_524 = tpu.memref_squeeze %dma_wait3A_523 : memref<1x2x128xi32, #tpu.memory_space<vmem>> -> memref<2x128xi32, #tpu.memory_space<vmem>>
      %dma_wait3A_525 = arith.constant 0 : i32
      %dma_wait3A_526 = arith.constant 0 : i32
      %dma_wait3A_527 = tpu.memref_slice %arg3[%dma_wait3A_525, %dma_wait3A_526] : memref<2x320000xi32, #tpu.memory_space<hbm>> -> memref<2x128xi32, #tpu.memory_space<hbm>>
      %dma_wait3A_528 = arith.constant 0 : i32
      %dma_wait3A_529 = arith.constant 0 : i32
      %dma_wait3A_530 = tpu.memref_slice %arg6[%dma_wait3A_520, %dma_wait3A_528, %dma_wait3A_529] : memref<6x2x128xi32, #tpu.memory_space<vmem>> -> memref<1x2x128xi32, #tpu.memory_space<vmem>>
      %dma_wait3A_531 = tpu.memref_squeeze %dma_wait3A_530 : memref<1x2x128xi32, #tpu.memory_space<vmem>> -> memref<2x128xi32, #tpu.memory_space<vmem>>
      %dma_wait3A_532 = arith.constant 0 : i32
      %dma_wait3A_533 = arith.constant 0 : i32
      %dma_wait3A_534 = tpu.memref_slice %arg3[%dma_wait3A_532, %dma_wait3A_533] : memref<2x320000xi32, #tpu.memory_space<hbm>> -> memref<2x128xi32, #tpu.memory_space<hbm>>
      tpu.wait_dma2 semaphore(%arg17 : memref<!tpu.dma_semaphore, #tpu.memory_space<semaphore_mem>>) src(%dma_wait3A_534 : memref<2x128xi32, #tpu.memory_space<hbm>>) dst(%dma_wait3A_531 : memref<2x128xi32, #tpu.memory_space<vmem>>)
      %dma_start3A_535 = arith.constant 3 : i32
      %dma_start3A_536 = arith.constant 0 : i32
      %dma_start3A_537 = arith.constant 0 : i32
      %dma_start3A_538 = arith.constant 0 : i32
      %dma_start3A_539 = arith.constant 0 : i32
      %dma_start3A_540 = tpu.memref_slice %arg7[%dma_start3A_537, %dma_start3A_538, %dma_start3A_539] : memref<3x128x128xf32, #tpu.memory_space<vmem>> -> memref<1x128x128xf32, #tpu.memory_space<vmem>>
      %dma_start3A_541 = tpu.memref_squeeze %dma_start3A_540 : memref<1x128x128xf32, #tpu.memory_space<vmem>> -> memref<128x128xf32, #tpu.memory_space<vmem>>
      %dma_start3A_542 = arith.constant 0 : i32
      %dma_start3A_543 = tpu.memref_slice %arg6[%dma_start3A_535, %dma_start3A_536, %dma_start3A_542] : memref<6x2x128xi32, #tpu.memory_space<vmem>> -> memref<1x1x128xi32, #tpu.memory_space<vmem>>
      %dma_start3A_544 = tpu.memref_squeeze %dma_start3A_543 : memref<1x1x128xi32, #tpu.memory_space<vmem>> -> memref<128xi32, #tpu.memory_space<vmem>>
      %dma_start3A_545 = arith.constant 0 : i32
      %dma_start3A_546 = arith.constant 0 : i32
      %dma_start3A_547 = tpu.memref_slice %arg2[%dma_start3A_545, %dma_start3A_546] : memref<10000x128xf32, #tpu.memory_space<hbm>> -> memref<10000x128xf32, #tpu.memory_space<hbm>>
      tpu.enqueue_indirect_dma source(%dma_start3A_547 : memref<10000x128xf32, #tpu.memory_space<hbm>>) target(%dma_start3A_541 : memref<128x128xf32, #tpu.memory_space<vmem>>) offsets(%dma_start3A_544 : memref<128xi32, #tpu.memory_space<vmem>>) semaphore(%arg8 : memref<!tpu.dma_semaphore, #tpu.memory_space<semaphore_mem>>)
      %add3A_548 = arith.constant 1 : i32
      %add3A_549 = arith.addi %mul3A_473, %add3A_548 : i32
      %dma_wait3A_550 = arith.constant 0 : i32
      %dma_wait3A_551 = arith.constant 0 : i32
      %dma_wait3A_552 = arith.constant 1 : i32
      %dma_wait3A_553 = arith.constant 0 : i32
      %dma_wait3A_554 = arith.constant 0 : i32
      %dma_wait3A_555 = tpu.memref_slice %arg7[%dma_wait3A_552, %dma_wait3A_553, %dma_wait3A_554] : memref<3x128x128xf32, #tpu.memory_space<vmem>> -> memref<1x128x128xf32, #tpu.memory_space<vmem>>
      %dma_wait3A_556 = tpu.memref_squeeze %dma_wait3A_555 : memref<1x128x128xf32, #tpu.memory_space<vmem>> -> memref<128x128xf32, #tpu.memory_space<vmem>>
      %dma_wait3A_557 = arith.constant 0 : i32
      %dma_wait3A_558 = tpu.memref_slice %arg6[%dma_wait3A_550, %dma_wait3A_551, %dma_wait3A_557] : memref<6x2x128xi32, #tpu.memory_space<vmem>> -> memref<1x1x128xi32, #tpu.memory_space<vmem>>
      %dma_wait3A_559 = tpu.memref_squeeze %dma_wait3A_558 : memref<1x1x128xi32, #tpu.memory_space<vmem>> -> memref<128xi32, #tpu.memory_space<vmem>>
      %dma_wait3A_560 = arith.constant 0 : i32
      %dma_wait3A_561 = arith.constant 0 : i32
      %dma_wait3A_562 = tpu.memref_slice %arg2[%dma_wait3A_560, %dma_wait3A_561] : memref<10000x128xf32, #tpu.memory_space<hbm>> -> memref<10000x128xf32, #tpu.memory_space<hbm>>
      tpu.wait_indirect_dma semaphore(%arg9 : memref<!tpu.dma_semaphore, #tpu.memory_space<semaphore_mem>>) src(%dma_wait3A_562 : memref<10000x128xf32, #tpu.memory_space<hbm>>) dst(%dma_wait3A_556 : memref<128x128xf32, #tpu.memory_space<vmem>>)
      %dma_start3A_563 = arith.constant 1 : i32
      %dma_start3A_564 = arith.constant 1 : i32
      %dma_start3A_565 = arith.constant 1 : i32
      %dma_start3A_566 = arith.constant 0 : i32
      %dma_start3A_567 = arith.constant 0 : i32
      %dma_start3A_568 = tpu.memref_slice %arg7[%dma_start3A_563, %dma_start3A_566, %dma_start3A_567] : memref<3x128x128xf32, #tpu.memory_space<vmem>> -> memref<1x128x128xf32, #tpu.memory_space<vmem>>
      %dma_start3A_569 = tpu.memref_squeeze %dma_start3A_568 : memref<1x128x128xf32, #tpu.memory_space<vmem>> -> memref<128x128xf32, #tpu.memory_space<vmem>>
      %dma_start3A_570 = arith.constant 0 : i32
      %dma_start3A_571 = tpu.memref_slice %arg6[%dma_start3A_564, %dma_start3A_565, %dma_start3A_570] : memref<6x2x128xi32, #tpu.memory_space<vmem>> -> memref<1x1x128xi32, #tpu.memory_space<vmem>>
      %dma_start3A_572 = tpu.memref_squeeze %dma_start3A_571 : memref<1x1x128xi32, #tpu.memory_space<vmem>> -> memref<128xi32, #tpu.memory_space<vmem>>
      %dma_start3A_573 = arith.constant 0 : i32
      %dma_start3A_574 = arith.constant 0 : i32
      %dma_start3A_575 = tpu.memref_slice %arg5[%dma_start3A_573, %dma_start3A_574] : memref<10000x128xf32, #tpu.memory_space<vmem_shared>> -> memref<10000x128xf32, #tpu.memory_space<vmem_shared>>
      tpu.enqueue_indirect_dma source(%dma_start3A_569 : memref<128x128xf32, #tpu.memory_space<vmem>>) target(%dma_start3A_575 : memref<10000x128xf32, #tpu.memory_space<vmem_shared>>) offsets(%dma_start3A_572 : memref<128xi32, #tpu.memory_space<vmem>>) semaphore(%arg12 : memref<!tpu.dma_semaphore, #tpu.memory_space<semaphore_mem>>) {add = true}
      %dma_wait3A_576 = arith.constant 1 : i32
      %dma_wait3A_577 = arith.constant 0 : i32
      %dma_wait3A_578 = arith.constant 1 : i32
      %dma_wait3A_579 = arith.constant 0 : i32
      %dma_wait3A_580 = arith.constant 0 : i32
      %dma_wait3A_581 = tpu.memref_slice %arg7[%dma_wait3A_576, %dma_wait3A_579, %dma_wait3A_580] : memref<3x128x128xf32, #tpu.memory_space<vmem>> -> memref<1x128x128xf32, #tpu.memory_space<vmem>>
      %dma_wait3A_582 = tpu.memref_squeeze %dma_wait3A_581 : memref<1x128x128xf32, #tpu.memory_space<vmem>> -> memref<128x128xf32, #tpu.memory_space<vmem>>
      %dma_wait3A_583 = arith.constant 0 : i32
      %dma_wait3A_584 = tpu.memref_slice %arg6[%dma_wait3A_577, %dma_wait3A_578, %dma_wait3A_583] : memref<6x2x128xi32, #tpu.memory_space<vmem>> -> memref<1x1x128xi32, #tpu.memory_space<vmem>>
      %dma_wait3A_585 = tpu.memref_squeeze %dma_wait3A_584 : memref<1x1x128xi32, #tpu.memory_space<vmem>> -> memref<128xi32, #tpu.memory_space<vmem>>
      %dma_wait3A_586 = arith.constant 0 : i32
      %dma_wait3A_587 = arith.constant 0 : i32
      %dma_wait3A_588 = tpu.memref_slice %arg5[%dma_wait3A_586, %dma_wait3A_587] : memref<10000x128xf32, #tpu.memory_space<vmem_shared>> -> memref<10000x128xf32, #tpu.memory_space<vmem_shared>>
      tpu.wait_indirect_dma semaphore(%arg12 : memref<!tpu.dma_semaphore, #tpu.memory_space<semaphore_mem>>) src(%dma_wait3A_582 : memref<128x128xf32, #tpu.memory_space<vmem>>) dst(%dma_wait3A_588 : memref<10000x128xf32, #tpu.memory_space<vmem_shared>>)
      %lt3A_589 = arith.constant 12 : i32
      %lt3A_590 = arith.cmpi slt, %scan3A_471, %lt3A_589 : i32
      %convert_element_type3A_591 = arith.extui %lt3A_590 : i1 to i32
      %cond3A_592 = arith.constant 0 : i32
      %cond3A_593 = arith.cmpi ne, %convert_element_type3A_591, %cond3A_592 : i32
      scf.if %cond3A_593 {
        %add3A_849 = arith.addi %mul3A_2, %add3A_549 : i32
        %add3A_850 = arith.constant 6 : i32
        %add3A_851 = arith.addi %add3A_849, %add3A_850 : i32
        %mul3A_852 = arith.constant 128 : i32
        %mul3A_853 = arith.muli %add3A_851, %mul3A_852 : i32
        %dma_start3A_854 = arith.constant 0 : i32
        %dma_start3A_855 = arith.constant 1 : i32
        %dma_start3A_856 = arith.constant 1 : i32
        %dma_start3A_857 = arith.constant 0 : i32
        %dma_start3A_858 = tpu.memref_slice %arg6[%dma_start3A_855, %dma_start3A_856, %dma_start3A_857] : memref<6x2x128xi32, #tpu.memory_space<vmem>> -> memref<1x1x128xi32, #tpu.memory_space<vmem>>
        %dma_start3A_859 = tpu.memref_squeeze %dma_start3A_858 : memref<1x1x128xi32, #tpu.memory_space<vmem>> -> memref<128xi32, #tpu.memory_space<vmem>>
        %dma_start3A_860 = tpu.memref_slice %arg3[%dma_start3A_854, %mul3A_853] : memref<2x320000xi32, #tpu.memory_space<hbm>> -> memref<1x128xi32, #tpu.memory_space<hbm>>
        %dma_start3A_861 = tpu.memref_squeeze %dma_start3A_860 : memref<1x128xi32, #tpu.memory_space<hbm>> -> memref<128xi32, #tpu.memory_space<hbm>>
        %dma_start3A_862 = arith.constant 0 : i32
        %dma_start3A_863 = tpu.memref_slice %arg6[%dma_start3A_855, %dma_start3A_856, %dma_start3A_862] : memref<6x2x128xi32, #tpu.memory_space<vmem>> -> memref<1x1x128xi32, #tpu.memory_space<vmem>>
        %dma_start3A_864 = tpu.memref_squeeze %dma_start3A_863 : memref<1x1x128xi32, #tpu.memory_space<vmem>> -> memref<128xi32, #tpu.memory_space<vmem>>
        %dma_start3A_865 = tpu.memref_slice %arg3[%dma_start3A_854, %mul3A_853] : memref<2x320000xi32, #tpu.memory_space<hbm>> -> memref<1x128xi32, #tpu.memory_space<hbm>>
        %dma_start3A_866 = tpu.memref_squeeze %dma_start3A_865 : memref<1x128xi32, #tpu.memory_space<hbm>> -> memref<128xi32, #tpu.memory_space<hbm>>
        tpu.enqueue_dma source(%dma_start3A_866 : memref<128xi32, #tpu.memory_space<hbm>>) target(%dma_start3A_864 : memref<128xi32, #tpu.memory_space<vmem>>) target_semaphore(%arg15 : memref<!tpu.dma_semaphore, #tpu.memory_space<semaphore_mem>>)
        %mul3A_867 = arith.constant 128 : i32
        %mul3A_868 = arith.muli %add3A_851, %mul3A_867 : i32
        %dma_start3A_869 = arith.constant 1 : i32
        %dma_start3A_870 = arith.constant 1 : i32
        %dma_start3A_871 = arith.constant 0 : i32
        %dma_start3A_872 = arith.constant 0 : i32
        %dma_start3A_873 = tpu.memref_slice %arg6[%dma_start3A_870, %dma_start3A_871, %dma_start3A_872] : memref<6x2x128xi32, #tpu.memory_space<vmem>> -> memref<1x1x128xi32, #tpu.memory_space<vmem>>
        %dma_start3A_874 = tpu.memref_squeeze %dma_start3A_873 : memref<1x1x128xi32, #tpu.memory_space<vmem>> -> memref<128xi32, #tpu.memory_space<vmem>>
        %dma_start3A_875 = tpu.memref_slice %arg3[%dma_start3A_869, %mul3A_868] : memref<2x320000xi32, #tpu.memory_space<hbm>> -> memref<1x128xi32, #tpu.memory_space<hbm>>
        %dma_start3A_876 = tpu.memref_squeeze %dma_start3A_875 : memref<1x128xi32, #tpu.memory_space<hbm>> -> memref<128xi32, #tpu.memory_space<hbm>>
        %dma_start3A_877 = arith.constant 0 : i32
        %dma_start3A_878 = tpu.memref_slice %arg6[%dma_start3A_870, %dma_start3A_871, %dma_start3A_877] : memref<6x2x128xi32, #tpu.memory_space<vmem>> -> memref<1x1x128xi32, #tpu.memory_space<vmem>>
        %dma_start3A_879 = tpu.memref_squeeze %dma_start3A_878 : memref<1x1x128xi32, #tpu.memory_space<vmem>> -> memref<128xi32, #tpu.memory_space<vmem>>
        %dma_start3A_880 = tpu.memref_slice %arg3[%dma_start3A_869, %mul3A_868] : memref<2x320000xi32, #tpu.memory_space<hbm>> -> memref<1x128xi32, #tpu.memory_space<hbm>>
        %dma_start3A_881 = tpu.memref_squeeze %dma_start3A_880 : memref<1x128xi32, #tpu.memory_space<hbm>> -> memref<128xi32, #tpu.memory_space<hbm>>
        tpu.enqueue_dma source(%dma_start3A_881 : memref<128xi32, #tpu.memory_space<hbm>>) target(%dma_start3A_879 : memref<128xi32, #tpu.memory_space<vmem>>) target_semaphore(%arg15 : memref<!tpu.dma_semaphore, #tpu.memory_space<semaphore_mem>>)
      } else {
      }
      %dma_wait3A_594 = arith.constant 4 : i32
      %dma_wait3A_595 = arith.constant 0 : i32
      %dma_wait3A_596 = arith.constant 0 : i32
      %dma_wait3A_597 = tpu.memref_slice %arg6[%dma_wait3A_594, %dma_wait3A_595, %dma_wait3A_596] : memref<6x2x128xi32, #tpu.memory_space<vmem>> -> memref<1x2x128xi32, #tpu.memory_space<vmem>>
      %dma_wait3A_598 = tpu.memref_squeeze %dma_wait3A_597 : memref<1x2x128xi32, #tpu.memory_space<vmem>> -> memref<2x128xi32, #tpu.memory_space<vmem>>
      %dma_wait3A_599 = arith.constant 0 : i32
      %dma_wait3A_600 = arith.constant 0 : i32
      %dma_wait3A_601 = tpu.memref_slice %arg3[%dma_wait3A_599, %dma_wait3A_600] : memref<2x320000xi32, #tpu.memory_space<hbm>> -> memref<2x128xi32, #tpu.memory_space<hbm>>
      %dma_wait3A_602 = arith.constant 0 : i32
      %dma_wait3A_603 = arith.constant 0 : i32
      %dma_wait3A_604 = tpu.memref_slice %arg6[%dma_wait3A_594, %dma_wait3A_602, %dma_wait3A_603] : memref<6x2x128xi32, #tpu.memory_space<vmem>> -> memref<1x2x128xi32, #tpu.memory_space<vmem>>
      %dma_wait3A_605 = tpu.memref_squeeze %dma_wait3A_604 : memref<1x2x128xi32, #tpu.memory_space<vmem>> -> memref<2x128xi32, #tpu.memory_space<vmem>>
      %dma_wait3A_606 = arith.constant 0 : i32
      %dma_wait3A_607 = arith.constant 0 : i32
      %dma_wait3A_608 = tpu.memref_slice %arg3[%dma_wait3A_606, %dma_wait3A_607] : memref<2x320000xi32, #tpu.memory_space<hbm>> -> memref<2x128xi32, #tpu.memory_space<hbm>>
      tpu.wait_dma2 semaphore(%arg18 : memref<!tpu.dma_semaphore, #tpu.memory_space<semaphore_mem>>) src(%dma_wait3A_608 : memref<2x128xi32, #tpu.memory_space<hbm>>) dst(%dma_wait3A_605 : memref<2x128xi32, #tpu.memory_space<vmem>>)
      %dma_start3A_609 = arith.constant 4 : i32
      %dma_start3A_610 = arith.constant 0 : i32
      %dma_start3A_611 = arith.constant 1 : i32
      %dma_start3A_612 = arith.constant 0 : i32
      %dma_start3A_613 = arith.constant 0 : i32
      %dma_start3A_614 = tpu.memref_slice %arg7[%dma_start3A_611, %dma_start3A_612, %dma_start3A_613] : memref<3x128x128xf32, #tpu.memory_space<vmem>> -> memref<1x128x128xf32, #tpu.memory_space<vmem>>
      %dma_start3A_615 = tpu.memref_squeeze %dma_start3A_614 : memref<1x128x128xf32, #tpu.memory_space<vmem>> -> memref<128x128xf32, #tpu.memory_space<vmem>>
      %dma_start3A_616 = arith.constant 0 : i32
      %dma_start3A_617 = tpu.memref_slice %arg6[%dma_start3A_609, %dma_start3A_610, %dma_start3A_616] : memref<6x2x128xi32, #tpu.memory_space<vmem>> -> memref<1x1x128xi32, #tpu.memory_space<vmem>>
      %dma_start3A_618 = tpu.memref_squeeze %dma_start3A_617 : memref<1x1x128xi32, #tpu.memory_space<vmem>> -> memref<128xi32, #tpu.memory_space<vmem>>
      %dma_start3A_619 = arith.constant 0 : i32
      %dma_start3A_620 = arith.constant 0 : i32
      %dma_start3A_621 = tpu.memref_slice %arg2[%dma_start3A_619, %dma_start3A_620] : memref<10000x128xf32, #tpu.memory_space<hbm>> -> memref<10000x128xf32, #tpu.memory_space<hbm>>
      tpu.enqueue_indirect_dma source(%dma_start3A_621 : memref<10000x128xf32, #tpu.memory_space<hbm>>) target(%dma_start3A_615 : memref<128x128xf32, #tpu.memory_space<vmem>>) offsets(%dma_start3A_618 : memref<128xi32, #tpu.memory_space<vmem>>) semaphore(%arg9 : memref<!tpu.dma_semaphore, #tpu.memory_space<semaphore_mem>>)
      %add3A_622 = arith.constant 2 : i32
      %add3A_623 = arith.addi %mul3A_473, %add3A_622 : i32
      %dma_wait3A_624 = arith.constant 0 : i32
      %dma_wait3A_625 = arith.constant 0 : i32
      %dma_wait3A_626 = arith.constant 2 : i32
      %dma_wait3A_627 = arith.constant 0 : i32
      %dma_wait3A_628 = arith.constant 0 : i32
      %dma_wait3A_629 = tpu.memref_slice %arg7[%dma_wait3A_626, %dma_wait3A_627, %dma_wait3A_628] : memref<3x128x128xf32, #tpu.memory_space<vmem>> -> memref<1x128x128xf32, #tpu.memory_space<vmem>>
      %dma_wait3A_630 = tpu.memref_squeeze %dma_wait3A_629 : memref<1x128x128xf32, #tpu.memory_space<vmem>> -> memref<128x128xf32, #tpu.memory_space<vmem>>
      %dma_wait3A_631 = arith.constant 0 : i32
      %dma_wait3A_632 = tpu.memref_slice %arg6[%dma_wait3A_624, %dma_wait3A_625, %dma_wait3A_631] : memref<6x2x128xi32, #tpu.memory_space<vmem>> -> memref<1x1x128xi32, #tpu.memory_space<vmem>>
      %dma_wait3A_633 = tpu.memref_squeeze %dma_wait3A_632 : memref<1x1x128xi32, #tpu.memory_space<vmem>> -> memref<128xi32, #tpu.memory_space<vmem>>
      %dma_wait3A_634 = arith.constant 0 : i32
      %dma_wait3A_635 = arith.constant 0 : i32
      %dma_wait3A_636 = tpu.memref_slice %arg2[%dma_wait3A_634, %dma_wait3A_635] : memref<10000x128xf32, #tpu.memory_space<hbm>> -> memref<10000x128xf32, #tpu.memory_space<hbm>>
      tpu.wait_indirect_dma semaphore(%arg10 : memref<!tpu.dma_semaphore, #tpu.memory_space<semaphore_mem>>) src(%dma_wait3A_636 : memref<10000x128xf32, #tpu.memory_space<hbm>>) dst(%dma_wait3A_630 : memref<128x128xf32, #tpu.memory_space<vmem>>)
      %dma_start3A_637 = arith.constant 2 : i32
      %dma_start3A_638 = arith.constant 2 : i32
      %dma_start3A_639 = arith.constant 1 : i32
      %dma_start3A_640 = arith.constant 0 : i32
      %dma_start3A_641 = arith.constant 0 : i32
      %dma_start3A_642 = tpu.memref_slice %arg7[%dma_start3A_637, %dma_start3A_640, %dma_start3A_641] : memref<3x128x128xf32, #tpu.memory_space<vmem>> -> memref<1x128x128xf32, #tpu.memory_space<vmem>>
      %dma_start3A_643 = tpu.memref_squeeze %dma_start3A_642 : memref<1x128x128xf32, #tpu.memory_space<vmem>> -> memref<128x128xf32, #tpu.memory_space<vmem>>
      %dma_start3A_644 = arith.constant 0 : i32
      %dma_start3A_645 = tpu.memref_slice %arg6[%dma_start3A_638, %dma_start3A_639, %dma_start3A_644] : memref<6x2x128xi32, #tpu.memory_space<vmem>> -> memref<1x1x128xi32, #tpu.memory_space<vmem>>
      %dma_start3A_646 = tpu.memref_squeeze %dma_start3A_645 : memref<1x1x128xi32, #tpu.memory_space<vmem>> -> memref<128xi32, #tpu.memory_space<vmem>>
      %dma_start3A_647 = arith.constant 0 : i32
      %dma_start3A_648 = arith.constant 0 : i32
      %dma_start3A_649 = tpu.memref_slice %arg5[%dma_start3A_647, %dma_start3A_648] : memref<10000x128xf32, #tpu.memory_space<vmem_shared>> -> memref<10000x128xf32, #tpu.memory_space<vmem_shared>>
      tpu.enqueue_indirect_dma source(%dma_start3A_643 : memref<128x128xf32, #tpu.memory_space<vmem>>) target(%dma_start3A_649 : memref<10000x128xf32, #tpu.memory_space<vmem_shared>>) offsets(%dma_start3A_646 : memref<128xi32, #tpu.memory_space<vmem>>) semaphore(%arg13 : memref<!tpu.dma_semaphore, #tpu.memory_space<semaphore_mem>>) {add = true}
      %dma_wait3A_650 = arith.constant 2 : i32
      %dma_wait3A_651 = arith.constant 0 : i32
      %dma_wait3A_652 = arith.constant 1 : i32
      %dma_wait3A_653 = arith.constant 0 : i32
      %dma_wait3A_654 = arith.constant 0 : i32
      %dma_wait3A_655 = tpu.memref_slice %arg7[%dma_wait3A_650, %dma_wait3A_653, %dma_wait3A_654] : memref<3x128x128xf32, #tpu.memory_space<vmem>> -> memref<1x128x128xf32, #tpu.memory_space<vmem>>
      %dma_wait3A_656 = tpu.memref_squeeze %dma_wait3A_655 : memref<1x128x128xf32, #tpu.memory_space<vmem>> -> memref<128x128xf32, #tpu.memory_space<vmem>>
      %dma_wait3A_657 = arith.constant 0 : i32
      %dma_wait3A_658 = tpu.memref_slice %arg6[%dma_wait3A_651, %dma_wait3A_652, %dma_wait3A_657] : memref<6x2x128xi32, #tpu.memory_space<vmem>> -> memref<1x1x128xi32, #tpu.memory_space<vmem>>
      %dma_wait3A_659 = tpu.memref_squeeze %dma_wait3A_658 : memref<1x1x128xi32, #tpu.memory_space<vmem>> -> memref<128xi32, #tpu.memory_space<vmem>>
      %dma_wait3A_660 = arith.constant 0 : i32
      %dma_wait3A_661 = arith.constant 0 : i32
      %dma_wait3A_662 = tpu.memref_slice %arg5[%dma_wait3A_660, %dma_wait3A_661] : memref<10000x128xf32, #tpu.memory_space<vmem_shared>> -> memref<10000x128xf32, #tpu.memory_space<vmem_shared>>
      tpu.wait_indirect_dma semaphore(%arg13 : memref<!tpu.dma_semaphore, #tpu.memory_space<semaphore_mem>>) src(%dma_wait3A_656 : memref<128x128xf32, #tpu.memory_space<vmem>>) dst(%dma_wait3A_662 : memref<10000x128xf32, #tpu.memory_space<vmem_shared>>)
      %lt3A_663 = arith.constant 12 : i32
      %lt3A_664 = arith.cmpi slt, %scan3A_471, %lt3A_663 : i32
      %convert_element_type3A_665 = arith.extui %lt3A_664 : i1 to i32
      %cond3A_666 = arith.constant 0 : i32
      %cond3A_667 = arith.cmpi ne, %convert_element_type3A_665, %cond3A_666 : i32
      scf.if %cond3A_667 {
        %add3A_849 = arith.addi %mul3A_2, %add3A_623 : i32
        %add3A_850 = arith.constant 6 : i32
        %add3A_851 = arith.addi %add3A_849, %add3A_850 : i32
        %mul3A_852 = arith.constant 128 : i32
        %mul3A_853 = arith.muli %add3A_851, %mul3A_852 : i32
        %dma_start3A_854 = arith.constant 0 : i32
        %dma_start3A_855 = arith.constant 2 : i32
        %dma_start3A_856 = arith.constant 1 : i32
        %dma_start3A_857 = arith.constant 0 : i32
        %dma_start3A_858 = tpu.memref_slice %arg6[%dma_start3A_855, %dma_start3A_856, %dma_start3A_857] : memref<6x2x128xi32, #tpu.memory_space<vmem>> -> memref<1x1x128xi32, #tpu.memory_space<vmem>>
        %dma_start3A_859 = tpu.memref_squeeze %dma_start3A_858 : memref<1x1x128xi32, #tpu.memory_space<vmem>> -> memref<128xi32, #tpu.memory_space<vmem>>
        %dma_start3A_860 = tpu.memref_slice %arg3[%dma_start3A_854, %mul3A_853] : memref<2x320000xi32, #tpu.memory_space<hbm>> -> memref<1x128xi32, #tpu.memory_space<hbm>>
        %dma_start3A_861 = tpu.memref_squeeze %dma_start3A_860 : memref<1x128xi32, #tpu.memory_space<hbm>> -> memref<128xi32, #tpu.memory_space<hbm>>
        %dma_start3A_862 = arith.constant 0 : i32
        %dma_start3A_863 = tpu.memref_slice %arg6[%dma_start3A_855, %dma_start3A_856, %dma_start3A_862] : memref<6x2x128xi32, #tpu.memory_space<vmem>> -> memref<1x1x128xi32, #tpu.memory_space<vmem>>
        %dma_start3A_864 = tpu.memref_squeeze %dma_start3A_863 : memref<1x1x128xi32, #tpu.memory_space<vmem>> -> memref<128xi32, #tpu.memory_space<vmem>>
        %dma_start3A_865 = tpu.memref_slice %arg3[%dma_start3A_854, %mul3A_853] : memref<2x320000xi32, #tpu.memory_space<hbm>> -> memref<1x128xi32, #tpu.memory_space<hbm>>
        %dma_start3A_866 = tpu.memref_squeeze %dma_start3A_865 : memref<1x128xi32, #tpu.memory_space<hbm>> -> memref<128xi32, #tpu.memory_space<hbm>>
        tpu.enqueue_dma source(%dma_start3A_866 : memref<128xi32, #tpu.memory_space<hbm>>) target(%dma_start3A_864 : memref<128xi32, #tpu.memory_space<vmem>>) target_semaphore(%arg16 : memref<!tpu.dma_semaphore, #tpu.memory_space<semaphore_mem>>)
        %mul3A_867 = arith.constant 128 : i32
        %mul3A_868 = arith.muli %add3A_851, %mul3A_867 : i32
        %dma_start3A_869 = arith.constant 1 : i32
        %dma_start3A_870 = arith.constant 2 : i32
        %dma_start3A_871 = arith.constant 0 : i32
        %dma_start3A_872 = arith.constant 0 : i32
        %dma_start3A_873 = tpu.memref_slice %arg6[%dma_start3A_870, %dma_start3A_871, %dma_start3A_872] : memref<6x2x128xi32, #tpu.memory_space<vmem>> -> memref<1x1x128xi32, #tpu.memory_space<vmem>>
        %dma_start3A_874 = tpu.memref_squeeze %dma_start3A_873 : memref<1x1x128xi32, #tpu.memory_space<vmem>> -> memref<128xi32, #tpu.memory_space<vmem>>
        %dma_start3A_875 = tpu.memref_slice %arg3[%dma_start3A_869, %mul3A_868] : memref<2x320000xi32, #tpu.memory_space<hbm>> -> memref<1x128xi32, #tpu.memory_space<hbm>>
        %dma_start3A_876 = tpu.memref_squeeze %dma_start3A_875 : memref<1x128xi32, #tpu.memory_space<hbm>> -> memref<128xi32, #tpu.memory_space<hbm>>
        %dma_start3A_877 = arith.constant 0 : i32
        %dma_start3A_878 = tpu.memref_slice %arg6[%dma_start3A_870, %dma_start3A_871, %dma_start3A_877] : memref<6x2x128xi32, #tpu.memory_space<vmem>> -> memref<1x1x128xi32, #tpu.memory_space<vmem>>
        %dma_start3A_879 = tpu.memref_squeeze %dma_start3A_878 : memref<1x1x128xi32, #tpu.memory_space<vmem>> -> memref<128xi32, #tpu.memory_space<vmem>>
        %dma_start3A_880 = tpu.memref_slice %arg3[%dma_start3A_869, %mul3A_868] : memref<2x320000xi32, #tpu.memory_space<hbm>> -> memref<1x128xi32, #tpu.memory_space<hbm>>
        %dma_start3A_881 = tpu.memref_squeeze %dma_start3A_880 : memref<1x128xi32, #tpu.memory_space<hbm>> -> memref<128xi32, #tpu.memory_space<hbm>>
        tpu.enqueue_dma source(%dma_start3A_881 : memref<128xi32, #tpu.memory_space<hbm>>) target(%dma_start3A_879 : memref<128xi32, #tpu.memory_space<vmem>>) target_semaphore(%arg16 : memref<!tpu.dma_semaphore, #tpu.memory_space<semaphore_mem>>)
      } else {
      }
      %dma_wait3A_668 = arith.constant 5 : i32
      %dma_wait3A_669 = arith.constant 0 : i32
      %dma_wait3A_670 = arith.constant 0 : i32
      %dma_wait3A_671 = tpu.memref_slice %arg6[%dma_wait3A_668, %dma_wait3A_669, %dma_wait3A_670] : memref<6x2x128xi32, #tpu.memory_space<vmem>> -> memref<1x2x128xi32, #tpu.memory_space<vmem>>
      %dma_wait3A_672 = tpu.memref_squeeze %dma_wait3A_671 : memref<1x2x128xi32, #tpu.memory_space<vmem>> -> memref<2x128xi32, #tpu.memory_space<vmem>>
      %dma_wait3A_673 = arith.constant 0 : i32
      %dma_wait3A_674 = arith.constant 0 : i32
      %dma_wait3A_675 = tpu.memref_slice %arg3[%dma_wait3A_673, %dma_wait3A_674] : memref<2x320000xi32, #tpu.memory_space<hbm>> -> memref<2x128xi32, #tpu.memory_space<hbm>>
      %dma_wait3A_676 = arith.constant 0 : i32
      %dma_wait3A_677 = arith.constant 0 : i32
      %dma_wait3A_678 = tpu.memref_slice %arg6[%dma_wait3A_668, %dma_wait3A_676, %dma_wait3A_677] : memref<6x2x128xi32, #tpu.memory_space<vmem>> -> memref<1x2x128xi32, #tpu.memory_space<vmem>>
      %dma_wait3A_679 = tpu.memref_squeeze %dma_wait3A_678 : memref<1x2x128xi32, #tpu.memory_space<vmem>> -> memref<2x128xi32, #tpu.memory_space<vmem>>
      %dma_wait3A_680 = arith.constant 0 : i32
      %dma_wait3A_681 = arith.constant 0 : i32
      %dma_wait3A_682 = tpu.memref_slice %arg3[%dma_wait3A_680, %dma_wait3A_681] : memref<2x320000xi32, #tpu.memory_space<hbm>> -> memref<2x128xi32, #tpu.memory_space<hbm>>
      tpu.wait_dma2 semaphore(%arg19 : memref<!tpu.dma_semaphore, #tpu.memory_space<semaphore_mem>>) src(%dma_wait3A_682 : memref<2x128xi32, #tpu.memory_space<hbm>>) dst(%dma_wait3A_679 : memref<2x128xi32, #tpu.memory_space<vmem>>)
      %dma_start3A_683 = arith.constant 5 : i32
      %dma_start3A_684 = arith.constant 0 : i32
      %dma_start3A_685 = arith.constant 2 : i32
      %dma_start3A_686 = arith.constant 0 : i32
      %dma_start3A_687 = arith.constant 0 : i32
      %dma_start3A_688 = tpu.memref_slice %arg7[%dma_start3A_685, %dma_start3A_686, %dma_start3A_687] : memref<3x128x128xf32, #tpu.memory_space<vmem>> -> memref<1x128x128xf32, #tpu.memory_space<vmem>>
      %dma_start3A_689 = tpu.memref_squeeze %dma_start3A_688 : memref<1x128x128xf32, #tpu.memory_space<vmem>> -> memref<128x128xf32, #tpu.memory_space<vmem>>
      %dma_start3A_690 = arith.constant 0 : i32
      %dma_start3A_691 = tpu.memref_slice %arg6[%dma_start3A_683, %dma_start3A_684, %dma_start3A_690] : memref<6x2x128xi32, #tpu.memory_space<vmem>> -> memref<1x1x128xi32, #tpu.memory_space<vmem>>
      %dma_start3A_692 = tpu.memref_squeeze %dma_start3A_691 : memref<1x1x128xi32, #tpu.memory_space<vmem>> -> memref<128xi32, #tpu.memory_space<vmem>>
      %dma_start3A_693 = arith.constant 0 : i32
      %dma_start3A_694 = arith.constant 0 : i32
      %dma_start3A_695 = tpu.memref_slice %arg2[%dma_start3A_693, %dma_start3A_694] : memref<10000x128xf32, #tpu.memory_space<hbm>> -> memref<10000x128xf32, #tpu.memory_space<hbm>>
      tpu.enqueue_indirect_dma source(%dma_start3A_695 : memref<10000x128xf32, #tpu.memory_space<hbm>>) target(%dma_start3A_689 : memref<128x128xf32, #tpu.memory_space<vmem>>) offsets(%dma_start3A_692 : memref<128xi32, #tpu.memory_space<vmem>>) semaphore(%arg10 : memref<!tpu.dma_semaphore, #tpu.memory_space<semaphore_mem>>)
      %add3A_696 = arith.constant 3 : i32
      %add3A_697 = arith.addi %mul3A_473, %add3A_696 : i32
      %dma_wait3A_698 = arith.constant 0 : i32
      %dma_wait3A_699 = arith.constant 0 : i32
      %dma_wait3A_700 = arith.constant 0 : i32
      %dma_wait3A_701 = arith.constant 0 : i32
      %dma_wait3A_702 = arith.constant 0 : i32
      %dma_wait3A_703 = tpu.memref_slice %arg7[%dma_wait3A_700, %dma_wait3A_701, %dma_wait3A_702] : memref<3x128x128xf32, #tpu.memory_space<vmem>> -> memref<1x128x128xf32, #tpu.memory_space<vmem>>
      %dma_wait3A_704 = tpu.memref_squeeze %dma_wait3A_703 : memref<1x128x128xf32, #tpu.memory_space<vmem>> -> memref<128x128xf32, #tpu.memory_space<vmem>>
      %dma_wait3A_705 = arith.constant 0 : i32
      %dma_wait3A_706 = tpu.memref_slice %arg6[%dma_wait3A_698, %dma_wait3A_699, %dma_wait3A_705] : memref<6x2x128xi32, #tpu.memory_space<vmem>> -> memref<1x1x128xi32, #tpu.memory_space<vmem>>
      %dma_wait3A_707 = tpu.memref_squeeze %dma_wait3A_706 : memref<1x1x128xi32, #tpu.memory_space<vmem>> -> memref<128xi32, #tpu.memory_space<vmem>>
      %dma_wait3A_708 = arith.constant 0 : i32
      %dma_wait3A_709 = arith.constant 0 : i32
      %dma_wait3A_710 = tpu.memref_slice %arg2[%dma_wait3A_708, %dma_wait3A_709] : memref<10000x128xf32, #tpu.memory_space<hbm>> -> memref<10000x128xf32, #tpu.memory_space<hbm>>
      tpu.wait_indirect_dma semaphore(%arg8 : memref<!tpu.dma_semaphore, #tpu.memory_space<semaphore_mem>>) src(%dma_wait3A_710 : memref<10000x128xf32, #tpu.memory_space<hbm>>) dst(%dma_wait3A_704 : memref<128x128xf32, #tpu.memory_space<vmem>>)
      %dma_start3A_711 = arith.constant 0 : i32
      %dma_start3A_712 = arith.constant 3 : i32
      %dma_start3A_713 = arith.constant 1 : i32
      %dma_start3A_714 = arith.constant 0 : i32
      %dma_start3A_715 = arith.constant 0 : i32
      %dma_start3A_716 = tpu.memref_slice %arg7[%dma_start3A_711, %dma_start3A_714, %dma_start3A_715] : memref<3x128x128xf32, #tpu.memory_space<vmem>> -> memref<1x128x128xf32, #tpu.memory_space<vmem>>
      %dma_start3A_717 = tpu.memref_squeeze %dma_start3A_716 : memref<1x128x128xf32, #tpu.memory_space<vmem>> -> memref<128x128xf32, #tpu.memory_space<vmem>>
      %dma_start3A_718 = arith.constant 0 : i32
      %dma_start3A_719 = tpu.memref_slice %arg6[%dma_start3A_712, %dma_start3A_713, %dma_start3A_718] : memref<6x2x128xi32, #tpu.memory_space<vmem>> -> memref<1x1x128xi32, #tpu.memory_space<vmem>>
      %dma_start3A_720 = tpu.memref_squeeze %dma_start3A_719 : memref<1x1x128xi32, #tpu.memory_space<vmem>> -> memref<128xi32, #tpu.memory_space<vmem>>
      %dma_start3A_721 = arith.constant 0 : i32
      %dma_start3A_722 = arith.constant 0 : i32
      %dma_start3A_723 = tpu.memref_slice %arg5[%dma_start3A_721, %dma_start3A_722] : memref<10000x128xf32, #tpu.memory_space<vmem_shared>> -> memref<10000x128xf32, #tpu.memory_space<vmem_shared>>
      tpu.enqueue_indirect_dma source(%dma_start3A_717 : memref<128x128xf32, #tpu.memory_space<vmem>>) target(%dma_start3A_723 : memref<10000x128xf32, #tpu.memory_space<vmem_shared>>) offsets(%dma_start3A_720 : memref<128xi32, #tpu.memory_space<vmem>>) semaphore(%arg11 : memref<!tpu.dma_semaphore, #tpu.memory_space<semaphore_mem>>) {add = true}
      %dma_wait3A_724 = arith.constant 0 : i32
      %dma_wait3A_725 = arith.constant 0 : i32
      %dma_wait3A_726 = arith.constant 1 : i32
      %dma_wait3A_727 = arith.constant 0 : i32
      %dma_wait3A_728 = arith.constant 0 : i32
      %dma_wait3A_729 = tpu.memref_slice %arg7[%dma_wait3A_724, %dma_wait3A_727, %dma_wait3A_728] : memref<3x128x128xf32, #tpu.memory_space<vmem>> -> memref<1x128x128xf32, #tpu.memory_space<vmem>>
      %dma_wait3A_730 = tpu.memref_squeeze %dma_wait3A_729 : memref<1x128x128xf32, #tpu.memory_space<vmem>> -> memref<128x128xf32, #tpu.memory_space<vmem>>
      %dma_wait3A_731 = arith.constant 0 : i32
      %dma_wait3A_732 = tpu.memref_slice %arg6[%dma_wait3A_725, %dma_wait3A_726, %dma_wait3A_731] : memref<6x2x128xi32, #tpu.memory_space<vmem>> -> memref<1x1x128xi32, #tpu.memory_space<vmem>>
      %dma_wait3A_733 = tpu.memref_squeeze %dma_wait3A_732 : memref<1x1x128xi32, #tpu.memory_space<vmem>> -> memref<128xi32, #tpu.memory_space<vmem>>
      %dma_wait3A_734 = arith.constant 0 : i32
      %dma_wait3A_735 = arith.constant 0 : i32
      %dma_wait3A_736 = tpu.memref_slice %arg5[%dma_wait3A_734, %dma_wait3A_735] : memref<10000x128xf32, #tpu.memory_space<vmem_shared>> -> memref<10000x128xf32, #tpu.memory_space<vmem_shared>>
      tpu.wait_indirect_dma semaphore(%arg11 : memref<!tpu.dma_semaphore, #tpu.memory_space<semaphore_mem>>) src(%dma_wait3A_730 : memref<128x128xf32, #tpu.memory_space<vmem>>) dst(%dma_wait3A_736 : memref<10000x128xf32, #tpu.memory_space<vmem_shared>>)
      %lt3A_737 = arith.constant 12 : i32
      %lt3A_738 = arith.cmpi slt, %scan3A_471, %lt3A_737 : i32
      %convert_element_type3A_739 = arith.extui %lt3A_738 : i1 to i32
      %cond3A_740 = arith.constant 0 : i32
      %cond3A_741 = arith.cmpi ne, %convert_element_type3A_739, %cond3A_740 : i32
      scf.if %cond3A_741 {
        %add3A_849 = arith.addi %mul3A_2, %add3A_697 : i32
        %add3A_850 = arith.constant 6 : i32
        %add3A_851 = arith.addi %add3A_849, %add3A_850 : i32
        %mul3A_852 = arith.constant 128 : i32
        %mul3A_853 = arith.muli %add3A_851, %mul3A_852 : i32
        %dma_start3A_854 = arith.constant 0 : i32
        %dma_start3A_855 = arith.constant 3 : i32
        %dma_start3A_856 = arith.constant 1 : i32
        %dma_start3A_857 = arith.constant 0 : i32
        %dma_start3A_858 = tpu.memref_slice %arg6[%dma_start3A_855, %dma_start3A_856, %dma_start3A_857] : memref<6x2x128xi32, #tpu.memory_space<vmem>> -> memref<1x1x128xi32, #tpu.memory_space<vmem>>
        %dma_start3A_859 = tpu.memref_squeeze %dma_start3A_858 : memref<1x1x128xi32, #tpu.memory_space<vmem>> -> memref<128xi32, #tpu.memory_space<vmem>>
        %dma_start3A_860 = tpu.memref_slice %arg3[%dma_start3A_854, %mul3A_853] : memref<2x320000xi32, #tpu.memory_space<hbm>> -> memref<1x128xi32, #tpu.memory_space<hbm>>
        %dma_start3A_861 = tpu.memref_squeeze %dma_start3A_860 : memref<1x128xi32, #tpu.memory_space<hbm>> -> memref<128xi32, #tpu.memory_space<hbm>>
        %dma_start3A_862 = arith.constant 0 : i32
        %dma_start3A_863 = tpu.memref_slice %arg6[%dma_start3A_855, %dma_start3A_856, %dma_start3A_862] : memref<6x2x128xi32, #tpu.memory_space<vmem>> -> memref<1x1x128xi32, #tpu.memory_space<vmem>>
        %dma_start3A_864 = tpu.memref_squeeze %dma_start3A_863 : memref<1x1x128xi32, #tpu.memory_space<vmem>> -> memref<128xi32, #tpu.memory_space<vmem>>
        %dma_start3A_865 = tpu.memref_slice %arg3[%dma_start3A_854, %mul3A_853] : memref<2x320000xi32, #tpu.memory_space<hbm>> -> memref<1x128xi32, #tpu.memory_space<hbm>>
        %dma_start3A_866 = tpu.memref_squeeze %dma_start3A_865 : memref<1x128xi32, #tpu.memory_space<hbm>> -> memref<128xi32, #tpu.memory_space<hbm>>
        tpu.enqueue_dma source(%dma_start3A_866 : memref<128xi32, #tpu.memory_space<hbm>>) target(%dma_start3A_864 : memref<128xi32, #tpu.memory_space<vmem>>) target_semaphore(%arg17 : memref<!tpu.dma_semaphore, #tpu.memory_space<semaphore_mem>>)
        %mul3A_867 = arith.constant 128 : i32
        %mul3A_868 = arith.muli %add3A_851, %mul3A_867 : i32
        %dma_start3A_869 = arith.constant 1 : i32
        %dma_start3A_870 = arith.constant 3 : i32
        %dma_start3A_871 = arith.constant 0 : i32
        %dma_start3A_872 = arith.constant 0 : i32
        %dma_start3A_873 = tpu.memref_slice %arg6[%dma_start3A_870, %dma_start3A_871, %dma_start3A_872] : memref<6x2x128xi32, #tpu.memory_space<vmem>> -> memref<1x1x128xi32, #tpu.memory_space<vmem>>
        %dma_start3A_874 = tpu.memref_squeeze %dma_start3A_873 : memref<1x1x128xi32, #tpu.memory_space<vmem>> -> memref<128xi32, #tpu.memory_space<vmem>>
        %dma_start3A_875 = tpu.memref_slice %arg3[%dma_start3A_869, %mul3A_868] : memref<2x320000xi32, #tpu.memory_space<hbm>> -> memref<1x128xi32, #tpu.memory_space<hbm>>
        %dma_start3A_876 = tpu.memref_squeeze %dma_start3A_875 : memref<1x128xi32, #tpu.memory_space<hbm>> -> memref<128xi32, #tpu.memory_space<hbm>>
        %dma_start3A_877 = arith.constant 0 : i32
        %dma_start3A_878 = tpu.memref_slice %arg6[%dma_start3A_870, %dma_start3A_871, %dma_start3A_877] : memref<6x2x128xi32, #tpu.memory_space<vmem>> -> memref<1x1x128xi32, #tpu.memory_space<vmem>>
        %dma_start3A_879 = tpu.memref_squeeze %dma_start3A_878 : memref<1x1x128xi32, #tpu.memory_space<vmem>> -> memref<128xi32, #tpu.memory_space<vmem>>
        %dma_start3A_880 = tpu.memref_slice %arg3[%dma_start3A_869, %mul3A_868] : memref<2x320000xi32, #tpu.memory_space<hbm>> -> memref<1x128xi32, #tpu.memory_space<hbm>>
        %dma_start3A_881 = tpu.memref_squeeze %dma_start3A_880 : memref<1x128xi32, #tpu.memory_space<hbm>> -> memref<128xi32, #tpu.memory_space<hbm>>
        tpu.enqueue_dma source(%dma_start3A_881 : memref<128xi32, #tpu.memory_space<hbm>>) target(%dma_start3A_879 : memref<128xi32, #tpu.memory_space<vmem>>) target_semaphore(%arg17 : memref<!tpu.dma_semaphore, #tpu.memory_space<semaphore_mem>>)
      } else {
      }
      %lt3A_742 = arith.constant 12 : i32
      %lt3A_743 = arith.cmpi slt, %scan3A_471, %lt3A_742 : i32
      %convert_element_type3A_744 = arith.extui %lt3A_743 : i1 to i32
      %cond3A_745 = arith.constant 0 : i32
      %cond3A_746 = arith.cmpi ne, %convert_element_type3A_744, %cond3A_745 : i32
      scf.if %cond3A_746 {
        %dma_wait3A_849 = arith.constant 0 : i32
        %dma_wait3A_850 = arith.constant 0 : i32
        %dma_wait3A_851 = arith.constant 0 : i32
        %dma_wait3A_852 = tpu.memref_slice %arg6[%dma_wait3A_849, %dma_wait3A_850, %dma_wait3A_851] : memref<6x2x128xi32, #tpu.memory_space<vmem>> -> memref<1x2x128xi32, #tpu.memory_space<vmem>>
        %dma_wait3A_853 = tpu.memref_squeeze %dma_wait3A_852 : memref<1x2x128xi32, #tpu.memory_space<vmem>> -> memref<2x128xi32, #tpu.memory_space<vmem>>
        %dma_wait3A_854 = arith.constant 0 : i32
        %dma_wait3A_855 = arith.constant 0 : i32
        %dma_wait3A_856 = tpu.memref_slice %arg3[%dma_wait3A_854, %dma_wait3A_855] : memref<2x320000xi32, #tpu.memory_space<hbm>> -> memref<2x128xi32, #tpu.memory_space<hbm>>
        %dma_wait3A_857 = arith.constant 0 : i32
        %dma_wait3A_858 = arith.constant 0 : i32
        %dma_wait3A_859 = tpu.memref_slice %arg6[%dma_wait3A_849, %dma_wait3A_857, %dma_wait3A_858] : memref<6x2x128xi32, #tpu.memory_space<vmem>> -> memref<1x2x128xi32, #tpu.memory_space<vmem>>
        %dma_wait3A_860 = tpu.memref_squeeze %dma_wait3A_859 : memref<1x2x128xi32, #tpu.memory_space<vmem>> -> memref<2x128xi32, #tpu.memory_space<vmem>>
        %dma_wait3A_861 = arith.constant 0 : i32
        %dma_wait3A_862 = arith.constant 0 : i32
        %dma_wait3A_863 = tpu.memref_slice %arg3[%dma_wait3A_861, %dma_wait3A_862] : memref<2x320000xi32, #tpu.memory_space<hbm>> -> memref<2x128xi32, #tpu.memory_space<hbm>>
        tpu.wait_dma2 semaphore(%arg14 : memref<!tpu.dma_semaphore, #tpu.memory_space<semaphore_mem>>) src(%dma_wait3A_863 : memref<2x128xi32, #tpu.memory_space<hbm>>) dst(%dma_wait3A_860 : memref<2x128xi32, #tpu.memory_space<vmem>>)
        %dma_start3A_864 = arith.constant 0 : i32
        %dma_start3A_865 = arith.constant 0 : i32
        %dma_start3A_866 = arith.constant 0 : i32
        %dma_start3A_867 = arith.constant 0 : i32
        %dma_start3A_868 = arith.constant 0 : i32
        %dma_start3A_869 = tpu.memref_slice %arg7[%dma_start3A_866, %dma_start3A_867, %dma_start3A_868] : memref<3x128x128xf32, #tpu.memory_space<vmem>> -> memref<1x128x128xf32, #tpu.memory_space<vmem>>
        %dma_start3A_870 = tpu.memref_squeeze %dma_start3A_869 : memref<1x128x128xf32, #tpu.memory_space<vmem>> -> memref<128x128xf32, #tpu.memory_space<vmem>>
        %dma_start3A_871 = arith.constant 0 : i32
        %dma_start3A_872 = tpu.memref_slice %arg6[%dma_start3A_864, %dma_start3A_865, %dma_start3A_871] : memref<6x2x128xi32, #tpu.memory_space<vmem>> -> memref<1x1x128xi32, #tpu.memory_space<vmem>>
        %dma_start3A_873 = tpu.memref_squeeze %dma_start3A_872 : memref<1x1x128xi32, #tpu.memory_space<vmem>> -> memref<128xi32, #tpu.memory_space<vmem>>
        %dma_start3A_874 = arith.constant 0 : i32
        %dma_start3A_875 = arith.constant 0 : i32
        %dma_start3A_876 = tpu.memref_slice %arg2[%dma_start3A_874, %dma_start3A_875] : memref<10000x128xf32, #tpu.memory_space<hbm>> -> memref<10000x128xf32, #tpu.memory_space<hbm>>
        tpu.enqueue_indirect_dma source(%dma_start3A_876 : memref<10000x128xf32, #tpu.memory_space<hbm>>) target(%dma_start3A_870 : memref<128x128xf32, #tpu.memory_space<vmem>>) offsets(%dma_start3A_873 : memref<128xi32, #tpu.memory_space<vmem>>) semaphore(%arg8 : memref<!tpu.dma_semaphore, #tpu.memory_space<semaphore_mem>>)
      } else {
      }
      %add3A_747 = arith.constant 4 : i32
      %add3A_748 = arith.addi %mul3A_473, %add3A_747 : i32
      %dma_wait3A_749 = arith.constant 0 : i32
      %dma_wait3A_750 = arith.constant 0 : i32
      %dma_wait3A_751 = arith.constant 1 : i32
      %dma_wait3A_752 = arith.constant 0 : i32
      %dma_wait3A_753 = arith.constant 0 : i32
      %dma_wait3A_754 = tpu.memref_slice %arg7[%dma_wait3A_751, %dma_wait3A_752, %dma_wait3A_753] : memref<3x128x128xf32, #tpu.memory_space<vmem>> -> memref<1x128x128xf32, #tpu.memory_space<vmem>>
      %dma_wait3A_755 = tpu.memref_squeeze %dma_wait3A_754 : memref<1x128x128xf32, #tpu.memory_space<vmem>> -> memref<128x128xf32, #tpu.memory_space<vmem>>
      %dma_wait3A_756 = arith.constant 0 : i32
      %dma_wait3A_757 = tpu.memref_slice %arg6[%dma_wait3A_749, %dma_wait3A_750, %dma_wait3A_756] : memref<6x2x128xi32, #tpu.memory_space<vmem>> -> memref<1x1x128xi32, #tpu.memory_space<vmem>>
      %dma_wait3A_758 = tpu.memref_squeeze %dma_wait3A_757 : memref<1x1x128xi32, #tpu.memory_space<vmem>> -> memref<128xi32, #tpu.memory_space<vmem>>
      %dma_wait3A_759 = arith.constant 0 : i32
      %dma_wait3A_760 = arith.constant 0 : i32
      %dma_wait3A_761 = tpu.memref_slice %arg2[%dma_wait3A_759, %dma_wait3A_760] : memref<10000x128xf32, #tpu.memory_space<hbm>> -> memref<10000x128xf32, #tpu.memory_space<hbm>>
      tpu.wait_indirect_dma semaphore(%arg9 : memref<!tpu.dma_semaphore, #tpu.memory_space<semaphore_mem>>) src(%dma_wait3A_761 : memref<10000x128xf32, #tpu.memory_space<hbm>>) dst(%dma_wait3A_755 : memref<128x128xf32, #tpu.memory_space<vmem>>)
      %dma_start3A_762 = arith.constant 1 : i32
      %dma_start3A_763 = arith.constant 4 : i32
      %dma_start3A_764 = arith.constant 1 : i32
      %dma_start3A_765 = arith.constant 0 : i32
      %dma_start3A_766 = arith.constant 0 : i32
      %dma_start3A_767 = tpu.memref_slice %arg7[%dma_start3A_762, %dma_start3A_765, %dma_start3A_766] : memref<3x128x128xf32, #tpu.memory_space<vmem>> -> memref<1x128x128xf32, #tpu.memory_space<vmem>>
      %dma_start3A_768 = tpu.memref_squeeze %dma_start3A_767 : memref<1x128x128xf32, #tpu.memory_space<vmem>> -> memref<128x128xf32, #tpu.memory_space<vmem>>
      %dma_start3A_769 = arith.constant 0 : i32
      %dma_start3A_770 = tpu.memref_slice %arg6[%dma_start3A_763, %dma_start3A_764, %dma_start3A_769] : memref<6x2x128xi32, #tpu.memory_space<vmem>> -> memref<1x1x128xi32, #tpu.memory_space<vmem>>
      %dma_start3A_771 = tpu.memref_squeeze %dma_start3A_770 : memref<1x1x128xi32, #tpu.memory_space<vmem>> -> memref<128xi32, #tpu.memory_space<vmem>>
      %dma_start3A_772 = arith.constant 0 : i32
      %dma_start3A_773 = arith.constant 0 : i32
      %dma_start3A_774 = tpu.memref_slice %arg5[%dma_start3A_772, %dma_start3A_773] : memref<10000x128xf32, #tpu.memory_space<vmem_shared>> -> memref<10000x128xf32, #tpu.memory_space<vmem_shared>>
      tpu.enqueue_indirect_dma source(%dma_start3A_768 : memref<128x128xf32, #tpu.memory_space<vmem>>) target(%dma_start3A_774 : memref<10000x128xf32, #tpu.memory_space<vmem_shared>>) offsets(%dma_start3A_771 : memref<128xi32, #tpu.memory_space<vmem>>) semaphore(%arg12 : memref<!tpu.dma_semaphore, #tpu.memory_space<semaphore_mem>>) {add = true}
      %dma_wait3A_775 = arith.constant 1 : i32
      %dma_wait3A_776 = arith.constant 0 : i32
      %dma_wait3A_777 = arith.constant 1 : i32
      %dma_wait3A_778 = arith.constant 0 : i32
      %dma_wait3A_779 = arith.constant 0 : i32
      %dma_wait3A_780 = tpu.memref_slice %arg7[%dma_wait3A_775, %dma_wait3A_778, %dma_wait3A_779] : memref<3x128x128xf32, #tpu.memory_space<vmem>> -> memref<1x128x128xf32, #tpu.memory_space<vmem>>
      %dma_wait3A_781 = tpu.memref_squeeze %dma_wait3A_780 : memref<1x128x128xf32, #tpu.memory_space<vmem>> -> memref<128x128xf32, #tpu.memory_space<vmem>>
      %dma_wait3A_782 = arith.constant 0 : i32
      %dma_wait3A_783 = tpu.memref_slice %arg6[%dma_wait3A_776, %dma_wait3A_777, %dma_wait3A_782] : memref<6x2x128xi32, #tpu.memory_space<vmem>> -> memref<1x1x128xi32, #tpu.memory_space<vmem>>
      %dma_wait3A_784 = tpu.memref_squeeze %dma_wait3A_783 : memref<1x1x128xi32, #tpu.memory_space<vmem>> -> memref<128xi32, #tpu.memory_space<vmem>>
      %dma_wait3A_785 = arith.constant 0 : i32
      %dma_wait3A_786 = arith.constant 0 : i32
      %dma_wait3A_787 = tpu.memref_slice %arg5[%dma_wait3A_785, %dma_wait3A_786] : memref<10000x128xf32, #tpu.memory_space<vmem_shared>> -> memref<10000x128xf32, #tpu.memory_space<vmem_shared>>
      tpu.wait_indirect_dma semaphore(%arg12 : memref<!tpu.dma_semaphore, #tpu.memory_space<semaphore_mem>>) src(%dma_wait3A_781 : memref<128x128xf32, #tpu.memory_space<vmem>>) dst(%dma_wait3A_787 : memref<10000x128xf32, #tpu.memory_space<vmem_shared>>)
      %lt3A_788 = arith.constant 12 : i32
      %lt3A_789 = arith.cmpi slt, %scan3A_471, %lt3A_788 : i32
      %convert_element_type3A_790 = arith.extui %lt3A_789 : i1 to i32
      %cond3A_791 = arith.constant 0 : i32
      %cond3A_792 = arith.cmpi ne, %convert_element_type3A_790, %cond3A_791 : i32
      scf.if %cond3A_792 {
        %add3A_849 = arith.addi %mul3A_2, %add3A_748 : i32
        %add3A_850 = arith.constant 6 : i32
        %add3A_851 = arith.addi %add3A_849, %add3A_850 : i32
        %mul3A_852 = arith.constant 128 : i32
        %mul3A_853 = arith.muli %add3A_851, %mul3A_852 : i32
        %dma_start3A_854 = arith.constant 0 : i32
        %dma_start3A_855 = arith.constant 4 : i32
        %dma_start3A_856 = arith.constant 1 : i32
        %dma_start3A_857 = arith.constant 0 : i32
        %dma_start3A_858 = tpu.memref_slice %arg6[%dma_start3A_855, %dma_start3A_856, %dma_start3A_857] : memref<6x2x128xi32, #tpu.memory_space<vmem>> -> memref<1x1x128xi32, #tpu.memory_space<vmem>>
        %dma_start3A_859 = tpu.memref_squeeze %dma_start3A_858 : memref<1x1x128xi32, #tpu.memory_space<vmem>> -> memref<128xi32, #tpu.memory_space<vmem>>
        %dma_start3A_860 = tpu.memref_slice %arg3[%dma_start3A_854, %mul3A_853] : memref<2x320000xi32, #tpu.memory_space<hbm>> -> memref<1x128xi32, #tpu.memory_space<hbm>>
        %dma_start3A_861 = tpu.memref_squeeze %dma_start3A_860 : memref<1x128xi32, #tpu.memory_space<hbm>> -> memref<128xi32, #tpu.memory_space<hbm>>
        %dma_start3A_862 = arith.constant 0 : i32
        %dma_start3A_863 = tpu.memref_slice %arg6[%dma_start3A_855, %dma_start3A_856, %dma_start3A_862] : memref<6x2x128xi32, #tpu.memory_space<vmem>> -> memref<1x1x128xi32, #tpu.memory_space<vmem>>
        %dma_start3A_864 = tpu.memref_squeeze %dma_start3A_863 : memref<1x1x128xi32, #tpu.memory_space<vmem>> -> memref<128xi32, #tpu.memory_space<vmem>>
        %dma_start3A_865 = tpu.memref_slice %arg3[%dma_start3A_854, %mul3A_853] : memref<2x320000xi32, #tpu.memory_space<hbm>> -> memref<1x128xi32, #tpu.memory_space<hbm>>
        %dma_start3A_866 = tpu.memref_squeeze %dma_start3A_865 : memref<1x128xi32, #tpu.memory_space<hbm>> -> memref<128xi32, #tpu.memory_space<hbm>>
        tpu.enqueue_dma source(%dma_start3A_866 : memref<128xi32, #tpu.memory_space<hbm>>) target(%dma_start3A_864 : memref<128xi32, #tpu.memory_space<vmem>>) target_semaphore(%arg18 : memref<!tpu.dma_semaphore, #tpu.memory_space<semaphore_mem>>)
        %mul3A_867 = arith.constant 128 : i32
        %mul3A_868 = arith.muli %add3A_851, %mul3A_867 : i32
        %dma_start3A_869 = arith.constant 1 : i32
        %dma_start3A_870 = arith.constant 4 : i32
        %dma_start3A_871 = arith.constant 0 : i32
        %dma_start3A_872 = arith.constant 0 : i32
        %dma_start3A_873 = tpu.memref_slice %arg6[%dma_start3A_870, %dma_start3A_871, %dma_start3A_872] : memref<6x2x128xi32, #tpu.memory_space<vmem>> -> memref<1x1x128xi32, #tpu.memory_space<vmem>>
        %dma_start3A_874 = tpu.memref_squeeze %dma_start3A_873 : memref<1x1x128xi32, #tpu.memory_space<vmem>> -> memref<128xi32, #tpu.memory_space<vmem>>
        %dma_start3A_875 = tpu.memref_slice %arg3[%dma_start3A_869, %mul3A_868] : memref<2x320000xi32, #tpu.memory_space<hbm>> -> memref<1x128xi32, #tpu.memory_space<hbm>>
        %dma_start3A_876 = tpu.memref_squeeze %dma_start3A_875 : memref<1x128xi32, #tpu.memory_space<hbm>> -> memref<128xi32, #tpu.memory_space<hbm>>
        %dma_start3A_877 = arith.constant 0 : i32
        %dma_start3A_878 = tpu.memref_slice %arg6[%dma_start3A_870, %dma_start3A_871, %dma_start3A_877] : memref<6x2x128xi32, #tpu.memory_space<vmem>> -> memref<1x1x128xi32, #tpu.memory_space<vmem>>
        %dma_start3A_879 = tpu.memref_squeeze %dma_start3A_878 : memref<1x1x128xi32, #tpu.memory_space<vmem>> -> memref<128xi32, #tpu.memory_space<vmem>>
        %dma_start3A_880 = tpu.memref_slice %arg3[%dma_start3A_869, %mul3A_868] : memref<2x320000xi32, #tpu.memory_space<hbm>> -> memref<1x128xi32, #tpu.memory_space<hbm>>
        %dma_start3A_881 = tpu.memref_squeeze %dma_start3A_880 : memref<1x128xi32, #tpu.memory_space<hbm>> -> memref<128xi32, #tpu.memory_space<hbm>>
        tpu.enqueue_dma source(%dma_start3A_881 : memref<128xi32, #tpu.memory_space<hbm>>) target(%dma_start3A_879 : memref<128xi32, #tpu.memory_space<vmem>>) target_semaphore(%arg18 : memref<!tpu.dma_semaphore, #tpu.memory_space<semaphore_mem>>)
      } else {
      }
      %lt3A_793 = arith.constant 12 : i32
      %lt3A_794 = arith.cmpi slt, %scan3A_471, %lt3A_793 : i32
      %convert_element_type3A_795 = arith.extui %lt3A_794 : i1 to i32
      %cond3A_796 = arith.constant 0 : i32
      %cond3A_797 = arith.cmpi ne, %convert_element_type3A_795, %cond3A_796 : i32
      scf.if %cond3A_797 {
        %dma_wait3A_849 = arith.constant 1 : i32
        %dma_wait3A_850 = arith.constant 0 : i32
        %dma_wait3A_851 = arith.constant 0 : i32
        %dma_wait3A_852 = tpu.memref_slice %arg6[%dma_wait3A_849, %dma_wait3A_850, %dma_wait3A_851] : memref<6x2x128xi32, #tpu.memory_space<vmem>> -> memref<1x2x128xi32, #tpu.memory_space<vmem>>
        %dma_wait3A_853 = tpu.memref_squeeze %dma_wait3A_852 : memref<1x2x128xi32, #tpu.memory_space<vmem>> -> memref<2x128xi32, #tpu.memory_space<vmem>>
        %dma_wait3A_854 = arith.constant 0 : i32
        %dma_wait3A_855 = arith.constant 0 : i32
        %dma_wait3A_856 = tpu.memref_slice %arg3[%dma_wait3A_854, %dma_wait3A_855] : memref<2x320000xi32, #tpu.memory_space<hbm>> -> memref<2x128xi32, #tpu.memory_space<hbm>>
        %dma_wait3A_857 = arith.constant 0 : i32
        %dma_wait3A_858 = arith.constant 0 : i32
        %dma_wait3A_859 = tpu.memref_slice %arg6[%dma_wait3A_849, %dma_wait3A_857, %dma_wait3A_858] : memref<6x2x128xi32, #tpu.memory_space<vmem>> -> memref<1x2x128xi32, #tpu.memory_space<vmem>>
        %dma_wait3A_860 = tpu.memref_squeeze %dma_wait3A_859 : memref<1x2x128xi32, #tpu.memory_space<vmem>> -> memref<2x128xi32, #tpu.memory_space<vmem>>
        %dma_wait3A_861 = arith.constant 0 : i32
        %dma_wait3A_862 = arith.constant 0 : i32
        %dma_wait3A_863 = tpu.memref_slice %arg3[%dma_wait3A_861, %dma_wait3A_862] : memref<2x320000xi32, #tpu.memory_space<hbm>> -> memref<2x128xi32, #tpu.memory_space<hbm>>
        tpu.wait_dma2 semaphore(%arg15 : memref<!tpu.dma_semaphore, #tpu.memory_space<semaphore_mem>>) src(%dma_wait3A_863 : memref<2x128xi32, #tpu.memory_space<hbm>>) dst(%dma_wait3A_860 : memref<2x128xi32, #tpu.memory_space<vmem>>)
        %dma_start3A_864 = arith.constant 1 : i32
        %dma_start3A_865 = arith.constant 0 : i32
        %dma_start3A_866 = arith.constant 1 : i32
        %dma_start3A_867 = arith.constant 0 : i32
        %dma_start3A_868 = arith.constant 0 : i32
        %dma_start3A_869 = tpu.memref_slice %arg7[%dma_start3A_866, %dma_start3A_867, %dma_start3A_868] : memref<3x128x128xf32, #tpu.memory_space<vmem>> -> memref<1x128x128xf32, #tpu.memory_space<vmem>>
        %dma_start3A_870 = tpu.memref_squeeze %dma_start3A_869 : memref<1x128x128xf32, #tpu.memory_space<vmem>> -> memref<128x128xf32, #tpu.memory_space<vmem>>
        %dma_start3A_871 = arith.constant 0 : i32
        %dma_start3A_872 = tpu.memref_slice %arg6[%dma_start3A_864, %dma_start3A_865, %dma_start3A_871] : memref<6x2x128xi32, #tpu.memory_space<vmem>> -> memref<1x1x128xi32, #tpu.memory_space<vmem>>
        %dma_start3A_873 = tpu.memref_squeeze %dma_start3A_872 : memref<1x1x128xi32, #tpu.memory_space<vmem>> -> memref<128xi32, #tpu.memory_space<vmem>>
        %dma_start3A_874 = arith.constant 0 : i32
        %dma_start3A_875 = arith.constant 0 : i32
        %dma_start3A_876 = tpu.memref_slice %arg2[%dma_start3A_874, %dma_start3A_875] : memref<10000x128xf32, #tpu.memory_space<hbm>> -> memref<10000x128xf32, #tpu.memory_space<hbm>>
        tpu.enqueue_indirect_dma source(%dma_start3A_876 : memref<10000x128xf32, #tpu.memory_space<hbm>>) target(%dma_start3A_870 : memref<128x128xf32, #tpu.memory_space<vmem>>) offsets(%dma_start3A_873 : memref<128xi32, #tpu.memory_space<vmem>>) semaphore(%arg9 : memref<!tpu.dma_semaphore, #tpu.memory_space<semaphore_mem>>)
      } else {
      }
      %add3A_798 = arith.constant 5 : i32
      %add3A_799 = arith.addi %mul3A_473, %add3A_798 : i32
      %dma_wait3A_800 = arith.constant 0 : i32
      %dma_wait3A_801 = arith.constant 0 : i32
      %dma_wait3A_802 = arith.constant 2 : i32
      %dma_wait3A_803 = arith.constant 0 : i32
      %dma_wait3A_804 = arith.constant 0 : i32
      %dma_wait3A_805 = tpu.memref_slice %arg7[%dma_wait3A_802, %dma_wait3A_803, %dma_wait3A_804] : memref<3x128x128xf32, #tpu.memory_space<vmem>> -> memref<1x128x128xf32, #tpu.memory_space<vmem>>
      %dma_wait3A_806 = tpu.memref_squeeze %dma_wait3A_805 : memref<1x128x128xf32, #tpu.memory_space<vmem>> -> memref<128x128xf32, #tpu.memory_space<vmem>>
      %dma_wait3A_807 = arith.constant 0 : i32
      %dma_wait3A_808 = tpu.memref_slice %arg6[%dma_wait3A_800, %dma_wait3A_801, %dma_wait3A_807] : memref<6x2x128xi32, #tpu.memory_space<vmem>> -> memref<1x1x128xi32, #tpu.memory_space<vmem>>
      %dma_wait3A_809 = tpu.memref_squeeze %dma_wait3A_808 : memref<1x1x128xi32, #tpu.memory_space<vmem>> -> memref<128xi32, #tpu.memory_space<vmem>>
      %dma_wait3A_810 = arith.constant 0 : i32
      %dma_wait3A_811 = arith.constant 0 : i32
      %dma_wait3A_812 = tpu.memref_slice %arg2[%dma_wait3A_810, %dma_wait3A_811] : memref<10000x128xf32, #tpu.memory_space<hbm>> -> memref<10000x128xf32, #tpu.memory_space<hbm>>
      tpu.wait_indirect_dma semaphore(%arg10 : memref<!tpu.dma_semaphore, #tpu.memory_space<semaphore_mem>>) src(%dma_wait3A_812 : memref<10000x128xf32, #tpu.memory_space<hbm>>) dst(%dma_wait3A_806 : memref<128x128xf32, #tpu.memory_space<vmem>>)
      %dma_start3A_813 = arith.constant 2 : i32
      %dma_start3A_814 = arith.constant 5 : i32
      %dma_start3A_815 = arith.constant 1 : i32
      %dma_start3A_816 = arith.constant 0 : i32
      %dma_start3A_817 = arith.constant 0 : i32
      %dma_start3A_818 = tpu.memref_slice %arg7[%dma_start3A_813, %dma_start3A_816, %dma_start3A_817] : memref<3x128x128xf32, #tpu.memory_space<vmem>> -> memref<1x128x128xf32, #tpu.memory_space<vmem>>
      %dma_start3A_819 = tpu.memref_squeeze %dma_start3A_818 : memref<1x128x128xf32, #tpu.memory_space<vmem>> -> memref<128x128xf32, #tpu.memory_space<vmem>>
      %dma_start3A_820 = arith.constant 0 : i32
      %dma_start3A_821 = tpu.memref_slice %arg6[%dma_start3A_814, %dma_start3A_815, %dma_start3A_820] : memref<6x2x128xi32, #tpu.memory_space<vmem>> -> memref<1x1x128xi32, #tpu.memory_space<vmem>>
      %dma_start3A_822 = tpu.memref_squeeze %dma_start3A_821 : memref<1x1x128xi32, #tpu.memory_space<vmem>> -> memref<128xi32, #tpu.memory_space<vmem>>
      %dma_start3A_823 = arith.constant 0 : i32
      %dma_start3A_824 = arith.constant 0 : i32
      %dma_start3A_825 = tpu.memref_slice %arg5[%dma_start3A_823, %dma_start3A_824] : memref<10000x128xf32, #tpu.memory_space<vmem_shared>> -> memref<10000x128xf32, #tpu.memory_space<vmem_shared>>
      tpu.enqueue_indirect_dma source(%dma_start3A_819 : memref<128x128xf32, #tpu.memory_space<vmem>>) target(%dma_start3A_825 : memref<10000x128xf32, #tpu.memory_space<vmem_shared>>) offsets(%dma_start3A_822 : memref<128xi32, #tpu.memory_space<vmem>>) semaphore(%arg13 : memref<!tpu.dma_semaphore, #tpu.memory_space<semaphore_mem>>) {add = true}
      %dma_wait3A_826 = arith.constant 2 : i32
      %dma_wait3A_827 = arith.constant 0 : i32
      %dma_wait3A_828 = arith.constant 1 : i32
      %dma_wait3A_829 = arith.constant 0 : i32
      %dma_wait3A_830 = arith.constant 0 : i32
      %dma_wait3A_831 = tpu.memref_slice %arg7[%dma_wait3A_826, %dma_wait3A_829, %dma_wait3A_830] : memref<3x128x128xf32, #tpu.memory_space<vmem>> -> memref<1x128x128xf32, #tpu.memory_space<vmem>>
      %dma_wait3A_832 = tpu.memref_squeeze %dma_wait3A_831 : memref<1x128x128xf32, #tpu.memory_space<vmem>> -> memref<128x128xf32, #tpu.memory_space<vmem>>
      %dma_wait3A_833 = arith.constant 0 : i32
      %dma_wait3A_834 = tpu.memref_slice %arg6[%dma_wait3A_827, %dma_wait3A_828, %dma_wait3A_833] : memref<6x2x128xi32, #tpu.memory_space<vmem>> -> memref<1x1x128xi32, #tpu.memory_space<vmem>>
      %dma_wait3A_835 = tpu.memref_squeeze %dma_wait3A_834 : memref<1x1x128xi32, #tpu.memory_space<vmem>> -> memref<128xi32, #tpu.memory_space<vmem>>
      %dma_wait3A_836 = arith.constant 0 : i32
      %dma_wait3A_837 = arith.constant 0 : i32
      %dma_wait3A_838 = tpu.memref_slice %arg5[%dma_wait3A_836, %dma_wait3A_837] : memref<10000x128xf32, #tpu.memory_space<vmem_shared>> -> memref<10000x128xf32, #tpu.memory_space<vmem_shared>>
      tpu.wait_indirect_dma semaphore(%arg13 : memref<!tpu.dma_semaphore, #tpu.memory_space<semaphore_mem>>) src(%dma_wait3A_832 : memref<128x128xf32, #tpu.memory_space<vmem>>) dst(%dma_wait3A_838 : memref<10000x128xf32, #tpu.memory_space<vmem_shared>>)
      %lt3A_839 = arith.constant 12 : i32
      %lt3A_840 = arith.cmpi slt, %scan3A_471, %lt3A_839 : i32
      %convert_element_type3A_841 = arith.extui %lt3A_840 : i1 to i32
      %cond3A_842 = arith.constant 0 : i32
      %cond3A_843 = arith.cmpi ne, %convert_element_type3A_841, %cond3A_842 : i32
      scf.if %cond3A_843 {
        %add3A_849 = arith.addi %mul3A_2, %add3A_799 : i32
        %add3A_850 = arith.constant 6 : i32
        %add3A_851 = arith.addi %add3A_849, %add3A_850 : i32
        %mul3A_852 = arith.constant 128 : i32
        %mul3A_853 = arith.muli %add3A_851, %mul3A_852 : i32
        %dma_start3A_854 = arith.constant 0 : i32
        %dma_start3A_855 = arith.constant 5 : i32
        %dma_start3A_856 = arith.constant 1 : i32
        %dma_start3A_857 = arith.constant 0 : i32
        %dma_start3A_858 = tpu.memref_slice %arg6[%dma_start3A_855, %dma_start3A_856, %dma_start3A_857] : memref<6x2x128xi32, #tpu.memory_space<vmem>> -> memref<1x1x128xi32, #tpu.memory_space<vmem>>
        %dma_start3A_859 = tpu.memref_squeeze %dma_start3A_858 : memref<1x1x128xi32, #tpu.memory_space<vmem>> -> memref<128xi32, #tpu.memory_space<vmem>>
        %dma_start3A_860 = tpu.memref_slice %arg3[%dma_start3A_854, %mul3A_853] : memref<2x320000xi32, #tpu.memory_space<hbm>> -> memref<1x128xi32, #tpu.memory_space<hbm>>
        %dma_start3A_861 = tpu.memref_squeeze %dma_start3A_860 : memref<1x128xi32, #tpu.memory_space<hbm>> -> memref<128xi32, #tpu.memory_space<hbm>>
        %dma_start3A_862 = arith.constant 0 : i32
        %dma_start3A_863 = tpu.memref_slice %arg6[%dma_start3A_855, %dma_start3A_856, %dma_start3A_862] : memref<6x2x128xi32, #tpu.memory_space<vmem>> -> memref<1x1x128xi32, #tpu.memory_space<vmem>>
        %dma_start3A_864 = tpu.memref_squeeze %dma_start3A_863 : memref<1x1x128xi32, #tpu.memory_space<vmem>> -> memref<128xi32, #tpu.memory_space<vmem>>
        %dma_start3A_865 = tpu.memref_slice %arg3[%dma_start3A_854, %mul3A_853] : memref<2x320000xi32, #tpu.memory_space<hbm>> -> memref<1x128xi32, #tpu.memory_space<hbm>>
        %dma_start3A_866 = tpu.memref_squeeze %dma_start3A_865 : memref<1x128xi32, #tpu.memory_space<hbm>> -> memref<128xi32, #tpu.memory_space<hbm>>
        tpu.enqueue_dma source(%dma_start3A_866 : memref<128xi32, #tpu.memory_space<hbm>>) target(%dma_start3A_864 : memref<128xi32, #tpu.memory_space<vmem>>) target_semaphore(%arg19 : memref<!tpu.dma_semaphore, #tpu.memory_space<semaphore_mem>>)
        %mul3A_867 = arith.constant 128 : i32
        %mul3A_868 = arith.muli %add3A_851, %mul3A_867 : i32
        %dma_start3A_869 = arith.constant 1 : i32
        %dma_start3A_870 = arith.constant 5 : i32
        %dma_start3A_871 = arith.constant 0 : i32
        %dma_start3A_872 = arith.constant 0 : i32
        %dma_start3A_873 = tpu.memref_slice %arg6[%dma_start3A_870, %dma_start3A_871, %dma_start3A_872] : memref<6x2x128xi32, #tpu.memory_space<vmem>> -> memref<1x1x128xi32, #tpu.memory_space<vmem>>
        %dma_start3A_874 = tpu.memref_squeeze %dma_start3A_873 : memref<1x1x128xi32, #tpu.memory_space<vmem>> -> memref<128xi32, #tpu.memory_space<vmem>>
        %dma_start3A_875 = tpu.memref_slice %arg3[%dma_start3A_869, %mul3A_868] : memref<2x320000xi32, #tpu.memory_space<hbm>> -> memref<1x128xi32, #tpu.memory_space<hbm>>
        %dma_start3A_876 = tpu.memref_squeeze %dma_start3A_875 : memref<1x128xi32, #tpu.memory_space<hbm>> -> memref<128xi32, #tpu.memory_space<hbm>>
        %dma_start3A_877 = arith.constant 0 : i32
        %dma_start3A_878 = tpu.memref_slice %arg6[%dma_start3A_870, %dma_start3A_871, %dma_start3A_877] : memref<6x2x128xi32, #tpu.memory_space<vmem>> -> memref<1x1x128xi32, #tpu.memory_space<vmem>>
        %dma_start3A_879 = tpu.memref_squeeze %dma_start3A_878 : memref<1x1x128xi32, #tpu.memory_space<vmem>> -> memref<128xi32, #tpu.memory_space<vmem>>
        %dma_start3A_880 = tpu.memref_slice %arg3[%dma_start3A_869, %mul3A_868] : memref<2x320000xi32, #tpu.memory_space<hbm>> -> memref<1x128xi32, #tpu.memory_space<hbm>>
        %dma_start3A_881 = tpu.memref_squeeze %dma_start3A_880 : memref<1x128xi32, #tpu.memory_space<hbm>> -> memref<128xi32, #tpu.memory_space<hbm>>
        tpu.enqueue_dma source(%dma_start3A_881 : memref<128xi32, #tpu.memory_space<hbm>>) target(%dma_start3A_879 : memref<128xi32, #tpu.memory_space<vmem>>) target_semaphore(%arg19 : memref<!tpu.dma_semaphore, #tpu.memory_space<semaphore_mem>>)
      } else {
      }
      %lt3A_844 = arith.constant 12 : i32
      %lt3A_845 = arith.cmpi slt, %scan3A_471, %lt3A_844 : i32
      %convert_element_type3A_846 = arith.extui %lt3A_845 : i1 to i32
      %cond3A_847 = arith.constant 0 : i32
      %cond3A_848 = arith.cmpi ne, %convert_element_type3A_846, %cond3A_847 : i32
      scf.if %cond3A_848 {
        %dma_wait3A_849 = arith.constant 2 : i32
        %dma_wait3A_850 = arith.constant 0 : i32
        %dma_wait3A_851 = arith.constant 0 : i32
        %dma_wait3A_852 = tpu.memref_slice %arg6[%dma_wait3A_849, %dma_wait3A_850, %dma_wait3A_851] : memref<6x2x128xi32, #tpu.memory_space<vmem>> -> memref<1x2x128xi32, #tpu.memory_space<vmem>>
        %dma_wait3A_853 = tpu.memref_squeeze %dma_wait3A_852 : memref<1x2x128xi32, #tpu.memory_space<vmem>> -> memref<2x128xi32, #tpu.memory_space<vmem>>
        %dma_wait3A_854 = arith.constant 0 : i32
        %dma_wait3A_855 = arith.constant 0 : i32
        %dma_wait3A_856 = tpu.memref_slice %arg3[%dma_wait3A_854, %dma_wait3A_855] : memref<2x320000xi32, #tpu.memory_space<hbm>> -> memref<2x128xi32, #tpu.memory_space<hbm>>
        %dma_wait3A_857 = arith.constant 0 : i32
        %dma_wait3A_858 = arith.constant 0 : i32
        %dma_wait3A_859 = tpu.memref_slice %arg6[%dma_wait3A_849, %dma_wait3A_857, %dma_wait3A_858] : memref<6x2x128xi32, #tpu.memory_space<vmem>> -> memref<1x2x128xi32, #tpu.memory_space<vmem>>
        %dma_wait3A_860 = tpu.memref_squeeze %dma_wait3A_859 : memref<1x2x128xi32, #tpu.memory_space<vmem>> -> memref<2x128xi32, #tpu.memory_space<vmem>>
        %dma_wait3A_861 = arith.constant 0 : i32
        %dma_wait3A_862 = arith.constant 0 : i32
        %dma_wait3A_863 = tpu.memref_slice %arg3[%dma_wait3A_861, %dma_wait3A_862] : memref<2x320000xi32, #tpu.memory_space<hbm>> -> memref<2x128xi32, #tpu.memory_space<hbm>>
        tpu.wait_dma2 semaphore(%arg16 : memref<!tpu.dma_semaphore, #tpu.memory_space<semaphore_mem>>) src(%dma_wait3A_863 : memref<2x128xi32, #tpu.memory_space<hbm>>) dst(%dma_wait3A_860 : memref<2x128xi32, #tpu.memory_space<vmem>>)
        %dma_start3A_864 = arith.constant 2 : i32
        %dma_start3A_865 = arith.constant 0 : i32
        %dma_start3A_866 = arith.constant 2 : i32
        %dma_start3A_867 = arith.constant 0 : i32
        %dma_start3A_868 = arith.constant 0 : i32
        %dma_start3A_869 = tpu.memref_slice %arg7[%dma_start3A_866, %dma_start3A_867, %dma_start3A_868] : memref<3x128x128xf32, #tpu.memory_space<vmem>> -> memref<1x128x128xf32, #tpu.memory_space<vmem>>
        %dma_start3A_870 = tpu.memref_squeeze %dma_start3A_869 : memref<1x128x128xf32, #tpu.memory_space<vmem>> -> memref<128x128xf32, #tpu.memory_space<vmem>>
        %dma_start3A_871 = arith.constant 0 : i32
        %dma_start3A_872 = tpu.memref_slice %arg6[%dma_start3A_864, %dma_start3A_865, %dma_start3A_871] : memref<6x2x128xi32, #tpu.memory_space<vmem>> -> memref<1x1x128xi32, #tpu.memory_space<vmem>>
        %dma_start3A_873 = tpu.memref_squeeze %dma_start3A_872 : memref<1x1x128xi32, #tpu.memory_space<vmem>> -> memref<128xi32, #tpu.memory_space<vmem>>
        %dma_start3A_874 = arith.constant 0 : i32
        %dma_start3A_875 = arith.constant 0 : i32
        %dma_start3A_876 = tpu.memref_slice %arg2[%dma_start3A_874, %dma_start3A_875] : memref<10000x128xf32, #tpu.memory_space<hbm>> -> memref<10000x128xf32, #tpu.memory_space<hbm>>
        tpu.enqueue_indirect_dma source(%dma_start3A_876 : memref<10000x128xf32, #tpu.memory_space<hbm>>) target(%dma_start3A_870 : memref<128x128xf32, #tpu.memory_space<vmem>>) offsets(%dma_start3A_873 : memref<128xi32, #tpu.memory_space<vmem>>) semaphore(%arg10 : memref<!tpu.dma_semaphore, #tpu.memory_space<semaphore_mem>>)
      } else {
      }
    }
    %scan3A_456 = arith.constant 13 : i32
    %lt3A = arith.constant 4 : i32
    %lt3A_457 = arith.cmpi slt, %add3A, %lt3A : i32
    %convert_element_type3A_458 = arith.extui %lt3A_457 : i1 to i32
    %cond3A_459 = arith.constant 0 : i32
    %cond3A_460 = arith.cmpi ne, %convert_element_type3A_458, %cond3A_459 : i32
    scf.if %cond3A_460 {
      %add3A_471 = arith.constant 2496 : i32
      %add3A_472 = arith.addi %add3A_471, %add3A : i32
      %mul3A_473 = arith.constant 128 : i32
      %mul3A_474 = arith.muli %add3A_472, %mul3A_473 : i32
      %dma_start3A_475 = arith.constant 0 : i32
      %dma_start3A_476 = arith.constant 0 : i32
      %dma_start3A_477 = arith.constant 1 : i32
      %dma_start3A_478 = arith.constant 0 : i32
      %dma_start3A_479 = tpu.memref_slice %arg6[%dma_start3A_476, %dma_start3A_477, %dma_start3A_478] : memref<6x2x128xi32, #tpu.memory_space<vmem>> -> memref<1x1x128xi32, #tpu.memory_space<vmem>>
      %dma_start3A_480 = tpu.memref_squeeze %dma_start3A_479 : memref<1x1x128xi32, #tpu.memory_space<vmem>> -> memref<128xi32, #tpu.memory_space<vmem>>
      %dma_start3A_481 = tpu.memref_slice %arg3[%dma_start3A_475, %mul3A_474] : memref<2x320000xi32, #tpu.memory_space<hbm>> -> memref<1x128xi32, #tpu.memory_space<hbm>>
      %dma_start3A_482 = tpu.memref_squeeze %dma_start3A_481 : memref<1x128xi32, #tpu.memory_space<hbm>> -> memref<128xi32, #tpu.memory_space<hbm>>
      %dma_start3A_483 = arith.constant 0 : i32
      %dma_start3A_484 = tpu.memref_slice %arg6[%dma_start3A_476, %dma_start3A_477, %dma_start3A_483] : memref<6x2x128xi32, #tpu.memory_space<vmem>> -> memref<1x1x128xi32, #tpu.memory_space<vmem>>
      %dma_start3A_485 = tpu.memref_squeeze %dma_start3A_484 : memref<1x1x128xi32, #tpu.memory_space<vmem>> -> memref<128xi32, #tpu.memory_space<vmem>>
      %dma_start3A_486 = tpu.memref_slice %arg3[%dma_start3A_475, %mul3A_474] : memref<2x320000xi32, #tpu.memory_space<hbm>> -> memref<1x128xi32, #tpu.memory_space<hbm>>
      %dma_start3A_487 = tpu.memref_squeeze %dma_start3A_486 : memref<1x128xi32, #tpu.memory_space<hbm>> -> memref<128xi32, #tpu.memory_space<hbm>>
      tpu.enqueue_dma source(%dma_start3A_487 : memref<128xi32, #tpu.memory_space<hbm>>) target(%dma_start3A_485 : memref<128xi32, #tpu.memory_space<vmem>>) target_semaphore(%arg14 : memref<!tpu.dma_semaphore, #tpu.memory_space<semaphore_mem>>)
      %mul3A_488 = arith.constant 128 : i32
      %mul3A_489 = arith.muli %add3A_472, %mul3A_488 : i32
      %dma_start3A_490 = arith.constant 1 : i32
      %dma_start3A_491 = arith.constant 0 : i32
      %dma_start3A_492 = arith.constant 0 : i32
      %dma_start3A_493 = arith.constant 0 : i32
      %dma_start3A_494 = tpu.memref_slice %arg6[%dma_start3A_491, %dma_start3A_492, %dma_start3A_493] : memref<6x2x128xi32, #tpu.memory_space<vmem>> -> memref<1x1x128xi32, #tpu.memory_space<vmem>>
      %dma_start3A_495 = tpu.memref_squeeze %dma_start3A_494 : memref<1x1x128xi32, #tpu.memory_space<vmem>> -> memref<128xi32, #tpu.memory_space<vmem>>
      %dma_start3A_496 = tpu.memref_slice %arg3[%dma_start3A_490, %mul3A_489] : memref<2x320000xi32, #tpu.memory_space<hbm>> -> memref<1x128xi32, #tpu.memory_space<hbm>>
      %dma_start3A_497 = tpu.memref_squeeze %dma_start3A_496 : memref<1x128xi32, #tpu.memory_space<hbm>> -> memref<128xi32, #tpu.memory_space<hbm>>
      %dma_start3A_498 = arith.constant 0 : i32
      %dma_start3A_499 = tpu.memref_slice %arg6[%dma_start3A_491, %dma_start3A_492, %dma_start3A_498] : memref<6x2x128xi32, #tpu.memory_space<vmem>> -> memref<1x1x128xi32, #tpu.memory_space<vmem>>
      %dma_start3A_500 = tpu.memref_squeeze %dma_start3A_499 : memref<1x1x128xi32, #tpu.memory_space<vmem>> -> memref<128xi32, #tpu.memory_space<vmem>>
      %dma_start3A_501 = tpu.memref_slice %arg3[%dma_start3A_490, %mul3A_489] : memref<2x320000xi32, #tpu.memory_space<hbm>> -> memref<1x128xi32, #tpu.memory_space<hbm>>
      %dma_start3A_502 = tpu.memref_squeeze %dma_start3A_501 : memref<1x128xi32, #tpu.memory_space<hbm>> -> memref<128xi32, #tpu.memory_space<hbm>>
      tpu.enqueue_dma source(%dma_start3A_502 : memref<128xi32, #tpu.memory_space<hbm>>) target(%dma_start3A_500 : memref<128xi32, #tpu.memory_space<vmem>>) target_semaphore(%arg14 : memref<!tpu.dma_semaphore, #tpu.memory_space<semaphore_mem>>)
      %dma_wait3A_503 = arith.constant 0 : i32
      %dma_wait3A_504 = arith.constant 0 : i32
      %dma_wait3A_505 = arith.constant 0 : i32
      %dma_wait3A_506 = tpu.memref_slice %arg6[%dma_wait3A_503, %dma_wait3A_504, %dma_wait3A_505] : memref<6x2x128xi32, #tpu.memory_space<vmem>> -> memref<1x2x128xi32, #tpu.memory_space<vmem>>
      %dma_wait3A_507 = tpu.memref_squeeze %dma_wait3A_506 : memref<1x2x128xi32, #tpu.memory_space<vmem>> -> memref<2x128xi32, #tpu.memory_space<vmem>>
      %dma_wait3A_508 = arith.constant 0 : i32
      %dma_wait3A_509 = arith.constant 0 : i32
      %dma_wait3A_510 = tpu.memref_slice %arg3[%dma_wait3A_508, %dma_wait3A_509] : memref<2x320000xi32, #tpu.memory_space<hbm>> -> memref<2x128xi32, #tpu.memory_space<hbm>>
      %dma_wait3A_511 = arith.constant 0 : i32
      %dma_wait3A_512 = arith.constant 0 : i32
      %dma_wait3A_513 = tpu.memref_slice %arg6[%dma_wait3A_503, %dma_wait3A_511, %dma_wait3A_512] : memref<6x2x128xi32, #tpu.memory_space<vmem>> -> memref<1x2x128xi32, #tpu.memory_space<vmem>>
      %dma_wait3A_514 = tpu.memref_squeeze %dma_wait3A_513 : memref<1x2x128xi32, #tpu.memory_space<vmem>> -> memref<2x128xi32, #tpu.memory_space<vmem>>
      %dma_wait3A_515 = arith.constant 0 : i32
      %dma_wait3A_516 = arith.constant 0 : i32
      %dma_wait3A_517 = tpu.memref_slice %arg3[%dma_wait3A_515, %dma_wait3A_516] : memref<2x320000xi32, #tpu.memory_space<hbm>> -> memref<2x128xi32, #tpu.memory_space<hbm>>
      tpu.wait_dma2 semaphore(%arg14 : memref<!tpu.dma_semaphore, #tpu.memory_space<semaphore_mem>>) src(%dma_wait3A_517 : memref<2x128xi32, #tpu.memory_space<hbm>>) dst(%dma_wait3A_514 : memref<2x128xi32, #tpu.memory_space<vmem>>)
      %dma_start3A_518 = arith.constant 0 : i32
      %dma_start3A_519 = arith.constant 0 : i32
      %dma_start3A_520 = arith.constant 0 : i32
      %dma_start3A_521 = arith.constant 0 : i32
      %dma_start3A_522 = arith.constant 0 : i32
      %dma_start3A_523 = tpu.memref_slice %arg7[%dma_start3A_520, %dma_start3A_521, %dma_start3A_522] : memref<3x128x128xf32, #tpu.memory_space<vmem>> -> memref<1x128x128xf32, #tpu.memory_space<vmem>>
      %dma_start3A_524 = tpu.memref_squeeze %dma_start3A_523 : memref<1x128x128xf32, #tpu.memory_space<vmem>> -> memref<128x128xf32, #tpu.memory_space<vmem>>
      %dma_start3A_525 = arith.constant 0 : i32
      %dma_start3A_526 = tpu.memref_slice %arg6[%dma_start3A_518, %dma_start3A_519, %dma_start3A_525] : memref<6x2x128xi32, #tpu.memory_space<vmem>> -> memref<1x1x128xi32, #tpu.memory_space<vmem>>
      %dma_start3A_527 = tpu.memref_squeeze %dma_start3A_526 : memref<1x1x128xi32, #tpu.memory_space<vmem>> -> memref<128xi32, #tpu.memory_space<vmem>>
      %dma_start3A_528 = arith.constant 0 : i32
      %dma_start3A_529 = arith.constant 0 : i32
      %dma_start3A_530 = tpu.memref_slice %arg2[%dma_start3A_528, %dma_start3A_529] : memref<10000x128xf32, #tpu.memory_space<hbm>> -> memref<10000x128xf32, #tpu.memory_space<hbm>>
      tpu.enqueue_indirect_dma source(%dma_start3A_530 : memref<10000x128xf32, #tpu.memory_space<hbm>>) target(%dma_start3A_524 : memref<128x128xf32, #tpu.memory_space<vmem>>) offsets(%dma_start3A_527 : memref<128xi32, #tpu.memory_space<vmem>>) semaphore(%arg8 : memref<!tpu.dma_semaphore, #tpu.memory_space<semaphore_mem>>)
      %dma_wait3A_531 = arith.constant 0 : i32
      %dma_wait3A_532 = arith.constant 0 : i32
      %dma_wait3A_533 = arith.constant 0 : i32
      %dma_wait3A_534 = arith.constant 0 : i32
      %dma_wait3A_535 = arith.constant 0 : i32
      %dma_wait3A_536 = tpu.memref_slice %arg7[%dma_wait3A_533, %dma_wait3A_534, %dma_wait3A_535] : memref<3x128x128xf32, #tpu.memory_space<vmem>> -> memref<1x128x128xf32, #tpu.memory_space<vmem>>
      %dma_wait3A_537 = tpu.memref_squeeze %dma_wait3A_536 : memref<1x128x128xf32, #tpu.memory_space<vmem>> -> memref<128x128xf32, #tpu.memory_space<vmem>>
      %dma_wait3A_538 = arith.constant 0 : i32
      %dma_wait3A_539 = tpu.memref_slice %arg6[%dma_wait3A_531, %dma_wait3A_532, %dma_wait3A_538] : memref<6x2x128xi32, #tpu.memory_space<vmem>> -> memref<1x1x128xi32, #tpu.memory_space<vmem>>
      %dma_wait3A_540 = tpu.memref_squeeze %dma_wait3A_539 : memref<1x1x128xi32, #tpu.memory_space<vmem>> -> memref<128xi32, #tpu.memory_space<vmem>>
      %dma_wait3A_541 = arith.constant 0 : i32
      %dma_wait3A_542 = arith.constant 0 : i32
      %dma_wait3A_543 = tpu.memref_slice %arg2[%dma_wait3A_541, %dma_wait3A_542] : memref<10000x128xf32, #tpu.memory_space<hbm>> -> memref<10000x128xf32, #tpu.memory_space<hbm>>
      tpu.wait_indirect_dma semaphore(%arg8 : memref<!tpu.dma_semaphore, #tpu.memory_space<semaphore_mem>>) src(%dma_wait3A_543 : memref<10000x128xf32, #tpu.memory_space<hbm>>) dst(%dma_wait3A_537 : memref<128x128xf32, #tpu.memory_space<vmem>>)
      %run_scoped3A = arith.constant 0 : i32
      %run_scoped3A_544 = arith.constant 0 : i32
      %run_scoped3A_545 = arith.constant 1 : i32
      "tpu.region"() ({
        %run_scoped3A_546 = tpu.sem_alloc : memref<!tpu.dma_semaphore, #tpu.memory_space<semaphore_mem>>
        %dma_start3A_547 = arith.constant 0 : i32
        %dma_start3A_548 = arith.constant 0 : i32
        %dma_start3A_549 = tpu.memref_slice %arg7[%run_scoped3A, %dma_start3A_547, %dma_start3A_548] : memref<3x128x128xf32, #tpu.memory_space<vmem>> -> memref<1x128x128xf32, #tpu.memory_space<vmem>>
        %dma_start3A_550 = tpu.memref_squeeze %dma_start3A_549 : memref<1x128x128xf32, #tpu.memory_space<vmem>> -> memref<128x128xf32, #tpu.memory_space<vmem>>
        %dma_start3A_551 = arith.constant 0 : i32
        %dma_start3A_552 = tpu.memref_slice %arg6[%run_scoped3A_544, %run_scoped3A_545, %dma_start3A_551] : memref<6x2x128xi32, #tpu.memory_space<vmem>> -> memref<1x1x128xi32, #tpu.memory_space<vmem>>
        %dma_start3A_553 = tpu.memref_squeeze %dma_start3A_552 : memref<1x1x128xi32, #tpu.memory_space<vmem>> -> memref<128xi32, #tpu.memory_space<vmem>>
        %dma_start3A_554 = arith.constant 0 : i32
        %dma_start3A_555 = arith.constant 0 : i32
        %dma_start3A_556 = tpu.memref_slice %arg5[%dma_start3A_554, %dma_start3A_555] : memref<10000x128xf32, #tpu.memory_space<vmem_shared>> -> memref<10000x128xf32, #tpu.memory_space<vmem_shared>>
        tpu.enqueue_indirect_dma source(%dma_start3A_550 : memref<128x128xf32, #tpu.memory_space<vmem>>) target(%dma_start3A_556 : memref<10000x128xf32, #tpu.memory_space<vmem_shared>>) offsets(%dma_start3A_553 : memref<128xi32, #tpu.memory_space<vmem>>) semaphore(%run_scoped3A_546 : memref<!tpu.dma_semaphore, #tpu.memory_space<semaphore_mem>>) {add = true}
        %dma_wait3A_557 = arith.constant 0 : i32
        %dma_wait3A_558 = arith.constant 0 : i32
        %dma_wait3A_559 = tpu.memref_slice %arg7[%run_scoped3A, %dma_wait3A_557, %dma_wait3A_558] : memref<3x128x128xf32, #tpu.memory_space<vmem>> -> memref<1x128x128xf32, #tpu.memory_space<vmem>>
        %dma_wait3A_560 = tpu.memref_squeeze %dma_wait3A_559 : memref<1x128x128xf32, #tpu.memory_space<vmem>> -> memref<128x128xf32, #tpu.memory_space<vmem>>
        %dma_wait3A_561 = arith.constant 0 : i32
        %dma_wait3A_562 = tpu.memref_slice %arg6[%run_scoped3A_544, %run_scoped3A_545, %dma_wait3A_561] : memref<6x2x128xi32, #tpu.memory_space<vmem>> -> memref<1x1x128xi32, #tpu.memory_space<vmem>>
        %dma_wait3A_563 = tpu.memref_squeeze %dma_wait3A_562 : memref<1x1x128xi32, #tpu.memory_space<vmem>> -> memref<128xi32, #tpu.memory_space<vmem>>
        %dma_wait3A_564 = arith.constant 0 : i32
        %dma_wait3A_565 = arith.constant 0 : i32
        %dma_wait3A_566 = tpu.memref_slice %arg5[%dma_wait3A_564, %dma_wait3A_565] : memref<10000x128xf32, #tpu.memory_space<vmem_shared>> -> memref<10000x128xf32, #tpu.memory_space<vmem_shared>>
        tpu.wait_indirect_dma semaphore(%run_scoped3A_546 : memref<!tpu.dma_semaphore, #tpu.memory_space<semaphore_mem>>) src(%dma_wait3A_560 : memref<128x128xf32, #tpu.memory_space<vmem>>) dst(%dma_wait3A_566 : memref<10000x128xf32, #tpu.memory_space<vmem_shared>>)
        tpu.yield
      }) : () -> ()
    } else {
    }
    %barrier3A_461 = arith.constant 0 : index
    tpu.barrier barrier_id(%barrier3A_461)
    %mul3A_462 = arith.constant 624 : i32
    %mul3A_463 = arith.muli %arg1, %mul3A_462 : i32
    %mul3A_464 = arith.constant 624 : i32
    %mul3A_465 = arith.muli %arg1, %mul3A_464 : i32
    "tpu.region"() ({
      %run_scoped3A = tpu.sem_alloc : memref<!tpu.dma_semaphore, #tpu.memory_space<semaphore_mem>>
      %dma_start3A_471 = arith.constant 0 : i32
      %dma_start3A_472 = tpu.memref_slice %arg4[%arg0, %mul3A_465, %dma_start3A_471] : memref<2x10000x128xf32, #tpu.memory_space<hbm>> -> memref<1x624x128xf32, #tpu.memory_space<hbm>>
      %dma_start3A_473 = tpu.memref_squeeze %dma_start3A_472 : memref<1x624x128xf32, #tpu.memory_space<hbm>> -> memref<624x128xf32, #tpu.memory_space<hbm>>
      %dma_start3A_474 = arith.constant 0 : i32
      %dma_start3A_475 = tpu.memref_slice %arg5[%mul3A_463, %dma_start3A_474] : memref<10000x128xf32, #tpu.memory_space<vmem_shared>> -> memref<624x128xf32, #tpu.memory_space<vmem_shared>>
      tpu.enqueue_dma source(%dma_start3A_475 : memref<624x128xf32, #tpu.memory_space<vmem_shared>>) target(%dma_start3A_473 : memref<624x128xf32, #tpu.memory_space<hbm>>) target_semaphore(%run_scoped3A : memref<!tpu.dma_semaphore, #tpu.memory_space<semaphore_mem>>)
      %dma_wait3A_476 = arith.constant 0 : i32
      %dma_wait3A_477 = tpu.memref_slice %arg4[%arg0, %mul3A_465, %dma_wait3A_476] : memref<2x10000x128xf32, #tpu.memory_space<hbm>> -> memref<1x624x128xf32, #tpu.memory_space<hbm>>
      %dma_wait3A_478 = tpu.memref_squeeze %dma_wait3A_477 : memref<1x624x128xf32, #tpu.memory_space<hbm>> -> memref<624x128xf32, #tpu.memory_space<hbm>>
      %dma_wait3A_479 = arith.constant 0 : i32
      %dma_wait3A_480 = tpu.memref_slice %arg5[%mul3A_463, %dma_wait3A_479] : memref<10000x128xf32, #tpu.memory_space<vmem_shared>> -> memref<624x128xf32, #tpu.memory_space<vmem_shared>>
      tpu.wait_dma2 semaphore(%run_scoped3A : memref<!tpu.dma_semaphore, #tpu.memory_space<semaphore_mem>>) src(%dma_wait3A_480 : memref<624x128xf32, #tpu.memory_space<vmem_shared>>) dst(%dma_wait3A_478 : memref<624x128xf32, #tpu.memory_space<hbm>>)
      tpu.yield
    }) : () -> ()
    %eq3A_466 = arith.constant 15 : i32
    %eq3A_467 = arith.cmpi eq, %arg1, %eq3A_466 : i32
    %convert_element_type3A_468 = arith.extui %eq3A_467 : i1 to i32
    %cond3A_469 = arith.constant 0 : i32
    %cond3A_470 = arith.cmpi ne, %convert_element_type3A_468, %cond3A_469 : i32
    scf.if %cond3A_470 {
      "tpu.region"() ({
        %run_scoped3A = tpu.sem_alloc : memref<!tpu.dma_semaphore, #tpu.memory_space<semaphore_mem>>
        %dma_start3A_471 = arith.constant 9984 : i32
        %dma_start3A_472 = arith.constant 0 : i32
        %dma_start3A_473 = tpu.memref_slice %arg4[%arg0, %dma_start3A_471, %dma_start3A_472] : memref<2x10000x128xf32, #tpu.memory_space<hbm>> -> memref<1x16x128xf32, #tpu.memory_space<hbm>>
        %dma_start3A_474 = tpu.memref_squeeze %dma_start3A_473 : memref<1x16x128xf32, #tpu.memory_space<hbm>> -> memref<16x128xf32, #tpu.memory_space<hbm>>
        %dma_start3A_475 = arith.constant 9984 : i32
        %dma_start3A_476 = arith.constant 0 : i32
        %dma_start3A_477 = tpu.memref_slice %arg5[%dma_start3A_475, %dma_start3A_476] : memref<10000x128xf32, #tpu.memory_space<vmem_shared>> -> memref<16x128xf32, #tpu.memory_space<vmem_shared>>
        tpu.enqueue_dma source(%dma_start3A_477 : memref<16x128xf32, #tpu.memory_space<vmem_shared>>) target(%dma_start3A_474 : memref<16x128xf32, #tpu.memory_space<hbm>>) target_semaphore(%run_scoped3A : memref<!tpu.dma_semaphore, #tpu.memory_space<semaphore_mem>>)
        %dma_wait3A_478 = arith.constant 9984 : i32
        %dma_wait3A_479 = arith.constant 0 : i32
        %dma_wait3A_480 = tpu.memref_slice %arg4[%arg0, %dma_wait3A_478, %dma_wait3A_479] : memref<2x10000x128xf32, #tpu.memory_space<hbm>> -> memref<1x16x128xf32, #tpu.memory_space<hbm>>
        %dma_wait3A_481 = tpu.memref_squeeze %dma_wait3A_480 : memref<1x16x128xf32, #tpu.memory_space<hbm>> -> memref<16x128xf32, #tpu.memory_space<hbm>>
        %dma_wait3A_482 = arith.constant 9984 : i32
        %dma_wait3A_483 = arith.constant 0 : i32
        %dma_wait3A_484 = tpu.memref_slice %arg5[%dma_wait3A_482, %dma_wait3A_483] : memref<10000x128xf32, #tpu.memory_space<vmem_shared>> -> memref<16x128xf32, #tpu.memory_space<vmem_shared>>
        tpu.wait_dma2 semaphore(%run_scoped3A : memref<!tpu.dma_semaphore, #tpu.memory_space<semaphore_mem>>) src(%dma_wait3A_484 : memref<16x128xf32, #tpu.memory_space<vmem_shared>>) dst(%dma_wait3A_481 : memref<16x128xf32, #tpu.memory_space<hbm>>)
        tpu.yield
      }) : () -> ()
    } else {
    }
    return
  }
}

module attributes {stable_mosaic.version = 14 : i64} {
  func.func @_tc_body(%arg0: i32, %arg1: memref<2x2000x128xf32, #tpu.memory_space<vmem>>, %arg2: memref<128x128xf32, #tpu.memory_space<vmem>>, %arg3: memref<1x128xf32, #tpu.memory_space<vmem>>, %arg4: memref<2000x128xf32, #tpu.memory_space<vmem>>) attributes {dimension_semantics = [#tpu.dimension_semantics<arbitrary>], iteration_bounds = array<i64: 5>, scalar_prefetch = 0 : i64, scratch_operands = 0 : i64, tpu.core_type = #tpu.core_type<tc>, window_params = [{transform_indices = @transform_0, window_bounds = array<i64: 2, 2000, 128>}, {pipeline_mode = #tpu.pipeline_mode<synchronous>, transform_indices = @transform_1, window_bounds = array<i64: 128, 128>}, {pipeline_mode = #tpu.pipeline_mode<synchronous>, transform_indices = @transform_2, window_bounds = array<i64: 1, 128>}, {transform_indices = @transform_3, window_bounds = array<i64: 2000, 128>}]} {
    %get3A = arith.constant 0 : index
    %get3A_0 = arith.constant 0 : index
    %get3A_1 = arith.constant 0 : index
    %get3A_2 = vector.load %arg1[%get3A, %get3A_0, %get3A_1] : memref<2x2000x128xf32, #tpu.memory_space<vmem>>, vector<1x2000x128xf32>
    %get3A_3 = vector.shape_cast %get3A_2 : vector<1x2000x128xf32> to vector<2000x128xf32>
    %get3A_4 = arith.constant 1 : index
    %get3A_5 = arith.constant 0 : index
    %get3A_6 = arith.constant 0 : index
    %get3A_7 = vector.load %arg1[%get3A_4, %get3A_5, %get3A_6] : memref<2x2000x128xf32, #tpu.memory_space<vmem>>, vector<1x2000x128xf32>
    %get3A_8 = vector.shape_cast %get3A_7 : vector<1x2000x128xf32> to vector<2000x128xf32>
    %add3A = arith.addf %get3A_3, %get3A_8 : vector<2000x128xf32>
    %get3A_9 = arith.constant 0 : index
    %get3A_10 = arith.constant 0 : index
    %get3A_11 = vector.load %arg2[%get3A_9, %get3A_10] : memref<128x128xf32, #tpu.memory_space<vmem>>, vector<128x128xf32>
    %dot_general3A = arith.constant dense<0.000000e+00> : vector<2000x128xf32>
    %dot_general3A_12 = tpu.matmul %add3A, %get3A_11, %dot_general3A {dimension_numbers = #tpu.dot_dimension_numbers<[1], [0], [0], [1], [0, 0, 1, 1], [], []>, transpose_lhs_hint = false} : vector<2000x128xf32>, vector<128x128xf32>, vector<2000x128xf32> -> vector<2000x128xf32>
    %get3A_13 = arith.constant 0 : index
    %get3A_14 = arith.constant 0 : index
    %get3A_15 = vector.load %arg3[%get3A_13, %get3A_14] : memref<1x128xf32, #tpu.memory_space<vmem>>, vector<1x128xf32>
    %add3A_16 = vector.broadcast %get3A_15 : vector<1x128xf32> to vector<2000x128xf32>
    %add3A_17 = arith.addf %dot_general3A_12, %add3A_16 : vector<2000x128xf32>
    %swap3A = arith.constant 0 : index
    %swap3A_18 = arith.constant 0 : index
    %swap3A_19 = vector.load %arg4[%swap3A, %swap3A_18] : memref<2000x128xf32, #tpu.memory_space<vmem>>, vector<2000x128xf32>
    tpu.vector_store %arg4[%swap3A, %swap3A_18], %add3A_17 {strides = array<i32>} : memref<2000x128xf32, #tpu.memory_space<vmem>>, vector<2000x128xf32>,
    return
  }
  func.func @transform_0(%arg0: i32) -> (i32, i32, i32) {
    %c0_i32 = arith.constant 0 : i32
    %c0_i32_0 = arith.constant 0 : i32
    %c0_i32_1 = arith.constant 0 : i32
    return %c0_i32, %arg0, %c0_i32_0 : i32, i32, i32
  }
  func.func @transform_1(%arg0: i32) -> (i32, i32) {
    %c0_i32 = arith.constant 0 : i32
    %c0_i32_0 = arith.constant 0 : i32
    %c0_i32_1 = arith.constant 0 : i32
    return %c0_i32, %c0_i32_0 : i32, i32
  }
  func.func @transform_2(%arg0: i32) -> (i32, i32) {
    %c0_i32 = arith.constant 0 : i32
    %c0_i32_0 = arith.constant 0 : i32
    %c0_i32_1 = arith.constant 0 : i32
    return %c0_i32, %c0_i32_0 : i32, i32
  }
  func.func @transform_3(%arg0: i32) -> (i32, i32) {
    %c0_i32 = arith.constant 0 : i32
    %c0_i32_0 = arith.constant 0 : i32
    return %arg0, %c0_i32 : i32, i32
  }
}

</mosaic_0001>

<sc_bundles>
// kernel: kernel.4.cloned.1.call-start
scs
__scs_entry_jumppad:
0x0: {  	(pc) =	sbr.rel $0x88, $3  }
0x1: {  	(tag) =	ssettag $0x0;
	lr =	simm.s32 $0x1  }
0x2: {  	[smem:$0x3F9D] =	sst lr;
	_ =	strace $0xD0000000  }
0x3: {  	_ = 	snop  }
0x4: {  	_ = 	snop  }
0x5: {  	_ = 	snop  }
0x6: {  	_ = 	snop  }
0x7: {  	_ = 	snop  }
__scs_overlays_trampoline_lowered:
0x8: {  	[smem:$0x3FAC] =	sst s0  }
0x9: {  	[smem:$0x3FAD] =	sst s1  }
0xa: {  	[smem:$0x3FAE] =	sst s2  }
0xb: {  	[smem:$0x3FAF] =	sst s3  }
0xc: {  	[smem:$0x3FB0] =	sst s4  }
0xd: {  	[smem:$0x3FB1] =	sst s5  }
0xe: {  	[smem:$0x3FB2] =	sst s6  }
0xf: {  	[smem:$0x3FB3] =	sst s7  }
0x10: {  	[smem:$0x3FB4] =	sst s8  }
0x11: {  	[smem:$0x3FB5] =	sst s9;
	s0 =	simm.s32 @!p0 $0x0  }
0x12: {  	s1 =	sld [smem:$0x3F9B];
	s0 =	simm.s32 @p0 $0x1  }
0x13: {  	[smem:$0x3FB6] =	sst s0;
	s0 =	simm.s32 @!p1 $0x0  }
0x14: {  	s2 =	sld [smem:$0x3F9A];
	s0 =	simm.s32 @p1 $0x1  }
0x15: {  	[smem:$0x3FB7] =	sst s0;
	s0 =	simm.s32 @!p2 $0x0  }
0x16: {  	s3 =	sld [smem:$0x3FDB];
	s0 =	simm.s32 @p2 $0x1  }
0x17: {  	s4 =	simm.s32 $0x1BF5;
	[smem:$0x3FB9] =	sst s0  }
0x18: {  	s0 =	sld [smem:$0x3F9C];
	_ =	swait.ge [sflag:s4], $0x0  }
0x19: {  	s7 =	sld [smem:$0x3F9D]  }
0x1a: {  	s8 =	sadd.s32 $0xFFFFE003, lr  }
0x1b: {  	s9 =	sadd.s32 $0xFFFFFEF7, lr;
	s5 =	simm.s32 $0xFFFFFFFF;
	p2 =	slt.u32 s8, $0xFFFFF086  }
0x1c: {  	p1 =	slt.u32 s9, $0xF7A;
	s5 =	simm.s32 @!p2 $0x0  }
0x1d: {  	s5 =	simm.s32 @p1 $0x1;
	p0 =	seq.s32 s7, s2  }
0x1e: {  	s7 =	smul.u32 @!p0 $0xF7A, s2;
	p2 =	seq.s32 @!p0 s5, $0x0  }
0x1f: {  	s9 =	smul.u32 $0xF7A, s1;
	s8 =	simm.s32 @!p0 $0x1BF5;
	p2 =	por !p2, p0  }
0x20: {  	[sflag:s8] =	ssyncset.s32 @!p0 $0xFFFFF086;
	s6 =	sadd.s32 @!p0 s3, s7;
	s7 =	simm.s32 @!p0 $0x108  }
0x21: {  	s3 =	sadd.s32 s3, s9;
	s6 =	sadd.s32 @!p0 $0x88, s6;
	s7 =	simm.s32 @p2 $0x1082  }
0x22: {  	[simem:s7], [sflag:s8] =	dma.local @!p0 [hbm:s6], $0xF7A  }
0x23: {  	s9 =	sor.u32 $0xD0000000, s2;
	s6 =	simm.s32 $0x108;
	_ =	swait.ge @!p0 [sflag:s8], $0x0  }
0x24: {  	s3 =	sadd.s32 $0x88, s3;
	s6 =	simm.s32 @!p1 $0x1082;
	[sflag:s4] =	ssyncset.s32 $0xFFFFF086  }
0x25: {  	[simem:s6], [sflag:s4] =	dma.local [hbm:s3], $0xF7A  }
0x26: {  	[smem:$0x3F9D] =	sst s1;
	(tag) =	ssettag s2;
	_ =	strace s9  }
0x27: {  	s1 =	sld [smem:$0x3FAD]  }
0x28: {  	s2 =	sld [smem:$0x3FAE]  }
0x29: {  	s4 =	sld [smem:$0x3FB0]  }
0x2a: {  	p0 =	seq.s32 s5, $0x0;
	s5 =	sld [smem:$0x3FB1]  }
0x2b: {  	s6 =	sld [smem:$0x3FB2]  }
0x2c: {  	s7 =	sld [smem:$0x3FB3]  }
0x2d: {  	s3 =	simm.s32 $0x108;
	s8 =	sld [smem:$0x3FB4]  }
0x2e: {  	s3 =	simm.s32 @!p0 $0x1082;
	s9 =	sld [smem:$0x3FB5]  }
0x2f: {  	lr =	sadd.s32 s0, s3;
	s0 =	sld [smem:$0x3FAC]  }
0x30: {  	s3 =	sld [smem:$0x3FAF]  }
0x31: {  	[smem:$0x3FB8] =	sst s10  }
0x32: {  	s10 =	sld [smem:$0x3FB6];
	_ =	sdelay $0x3  }
0x33: {  	p0 =	seq.s32 s10, $0x1;
	s10 =	sld [smem:$0x3FB8];
	_ =	sdelay $0x3  }
0x34: {  	[smem:$0x3FB8] =	sst s10  }
0x35: {  	s10 =	sld [smem:$0x3FB7];
	_ =	sdelay $0x3  }
0x36: {  	p1 =	seq.s32 s10, $0x1;
	s10 =	sld [smem:$0x3FB8];
	_ =	sdelay $0x3  }
0x37: {  	[smem:$0x3FB8] =	sst s10  }
0x38: {  	s10 =	sld [smem:$0x3FB9]  }
0x39: {  	_ = 	snop;
	(pc) =	sbr.ind lr, $3  }
0x3a: {  	_ = 	snop  }
0x3b: {  	_ = 	snop  }
0x3c: {  	p2 =	seq.s32 s10, $0x1;
	s10 =	sld [smem:$0x3FB8]  }
0x3d: {  	_ =	shalt  }
0x3e: {  	_ =	shalt  }
0x3f: {  	_ =	shalt  }
0x40: {  	_ =	shalt  }
0x41: {  	_ =	shalt  }
0x42: {  	_ =	shalt  }
0x43: {  	_ =	shalt  }
0x44: {  	_ =	shalt  }
0x45: {  	_ =	shalt  }
0x46: {  	_ =	shalt  }
0x47: {  	_ =	shalt  }
0x48: {  	_ =	shalt  }
0x49: {  	_ =	shalt  }
0x4a: {  	_ =	shalt  }
0x4b: {  	_ =	shalt  }
0x4c: {  	_ =	shalt  }
0x4d: {  	_ =	shalt  }
0x4e: {  	_ =	shalt  }
0x4f: {  	_ =	shalt  }
0x50: {  	_ =	shalt  }
0x51: {  	_ =	shalt  }
0x52: {  	_ =	shalt  }
0x53: {  	_ =	shalt  }
0x54: {  	_ =	shalt  }
0x55: {  	_ =	shalt  }
0x56: {  	_ =	shalt  }
0x57: {  	_ =	shalt  }
0x58: {  	_ =	shalt  }
0x59: {  	_ =	shalt  }
0x5a: {  	_ =	shalt  }
0x5b: {  	_ =	shalt  }
0x5c: {  	_ =	shalt  }
0x5d: {  	_ =	shalt  }
0x5e: {  	_ =	shalt  }
0x5f: {  	_ =	shalt  }
0x60: {  	_ =	shalt  }
0x61: {  	_ =	shalt  }
0x62: {  	_ =	shalt  }
0x63: {  	_ =	shalt  }
0x64: {  	_ =	shalt  }
0x65: {  	_ =	shalt  }
0x66: {  	_ =	shalt  }
0x67: {  	_ =	shalt  }
0x68: {  	_ =	shalt  }
0x69: {  	_ =	shalt  }
0x6a: {  	_ =	shalt  }
0x6b: {  	_ =	shalt  }
0x6c: {  	_ =	shalt  }
0x6d: {  	_ =	shalt  }
0x6e: {  	_ =	shalt  }
0x6f: {  	_ =	shalt  }
0x70: {  	_ =	shalt  }
0x71: {  	_ =	shalt  }
0x72: {  	_ =	shalt  }
0x73: {  	_ =	shalt  }
0x74: {  	_ =	shalt  }
0x75: {  	_ =	shalt  }
0x76: {  	_ =	shalt  }
0x77: {  	_ =	shalt  }
0x78: {  	_ =	shalt  }
0x79: {  	_ =	shalt  }
0x7a: {  	_ =	shalt  }
0x7b: {  	_ =	shalt  }
0x7c: {  	_ =	shalt  }
0x7d: {  	_ =	shalt  }
0x7e: {  	_ =	shalt  }
0x7f: {  	_ =	shalt  }
0x80: {  	_ =	shalt  }
0x81: {  	_ =	shalt  }
0x82: {  	_ =	shalt  }
0x83: {  	_ =	shalt  }
0x84: {  	_ =	shalt  }
0x85: {  	_ =	shalt  }
0x86: {  	_ =	shalt  }
0x87: {  	_ =	shalt  }
.Lfunc_end0:
.L_simem_size_0:
called_computation_lowered:
.L_overlay_start_0:
0x88: {  	s2 =	sld [smem:$0x3FD9]  }
0x89: {  	s3 =	sld [smem:$0x3FFE];
	_ =	sdelay $0x1  }
0x8a: {  	s1 =	srdreg.scid  }
0x8b: {  	s0 =	sand.u32 $0x1, s1  }
0x8c: {  	s17 =	sshll.u32 s0, $0xA;
	s2 =	sadd.s32 s3, s2  }
0x8d: {  	s2 =	sadd.s32 s2, s17  }
0x8e: {  	[smem:$0x3FC4] =	sst s2  }
0x8f: {  	_ = 	snop  }
0x90: {  	s2 =	sld [smem:$0x3FC9]  }
0x91: {  	s18 =	sld [smem:$0x3FC8];
	(tm) =	ssettm $0x1  }
0x92: {  	s4 =	sld [smem:$0x3FFB];
	_ =	sdelay $0x3  }
0x93: {  	_ =	strace s4  }
0x94: {  	s4 =	sld [smem:$0x3FFC];
	_ =	sdelay $0x3  }
0x95: {  	_ =	strace s4  }
0x96: {  	s4 =	sld [smem:$0x3FFD];
	_ =	sdelay $0x3  }
0x97: {  	_ =	strace s4  }
0x98: {  	_ =	strace $0x8FFFFFFF  }
0x99: {  	s19 =	sld [smem:$0x3FDB];
	_ =	sdelay $0x1  }
0x9a: {  	s5 =	simm.s32 $_scs_section_size  }
0x9b: {  	s6 =	simm.s32 $_size__tile_overlayer_lowered;
	s7 =	simm.s32 $_tile_overlayer_lowered  }
0x9c: {  	s22 =	simm.s32 $0x1BFF;
	s21 =	sshll.u32 s7, $0x1;
	s4 =	sadd.s32 s5, s19  }
0x9d: {  	s8 =	simm.s32 $0x0;
	s20 =	sshll.u32 s6, $0x1;
	s6 =	sadd.s32 s21, s4  }
0x9e: {  	[timem:s8], [sflag:s22] =	dma.local [hbm:s6], s20  }
0x9f: {  	_ =	swait.ge [sflag:s22], s20  }
0xa0: {  	s5 =	ssub.s32 $0x0, s20;
	[sflag:s22] =	ssyncset.done $0x0  }
0xa1: {  	[sflag:s22] =	ssyncadd.s32 s5;
	_ =	sdelay $0x1  }
0xa2: {  	s23 =	simm.s32 $0x1B8B  }
0xa3: {  	_ =	swait.ge [sflag:s23], $0x1  }
0xa4: {  	[sflag:s23] =	ssyncset.done $0x0  }
0xa5: {  	s25 =	simm.s32 $0x1B8E;
	s24 =	sld [smem:$0x3FFE];
	[sflag:s23] =	ssyncadd.s32 $0xFFFFFFFF  }
0xa6: {  	s26 =	simm.s32 $execute0_lowered;
	[smem:$0x3FD2] =	sst s25  }
0xa7: {  	s6 =	sshll.u32 s26, $0x1;
	_ =	strace $0x80000046;
	[dreg:$0x1] =	wrdreg $0xFFFFFFFF  }
0xa8: {  	s28 =	simm.s32 $_size_execute0_lowered;
	s4 =	sadd.s32 s4, s6;
	[dreg:$0x0] =	wrdreg $0x0  }
0xa9: {  	s6 =	sshll.u32 s28, $0x1;
	[dreg:$0x2] =	wrdreg s4  }
0xaa: {  	[dreg:$0x3] =	wrdreg s6  }
0xab: {  	[dreg:$0x4] =	wrdreg $0xC0  }
0xac: {  	_ =	task [dreg:s8], $0x5FFFF  }
0xad: {  	[dreg:$0x1] =	wrdreg $0xFFFFFFFF  }
0xae: {  	[dreg:$0x0] =	wrdreg $0x60  }
0xaf: {  	[dreg:$0x2] =	wrdreg s2  }
0xb0: {  	[dreg:$0x3] =	wrdreg s18  }
0xb1: {  	[dreg:$0x4] =	wrdreg s24  }
0xb2: {  	[dreg:$0x5] =	wrdreg $0x0  }
0xb3: {  	[dreg:$0x6] =	wrdreg $0x9  }
0xb4: {  	_ =	task.clear_ibuf [dreg:s8], $0x7FFFF;
	_ =	strace $0x90000046  }
0xb5: {  	s29 =	simm.s32 $0x9;
	_ =	strace $0x80000048  }
0xb6: {  	_ =	swait.ge [sflag:s29], $0x1  }
0xb7: {  	[sflag:s29] =	ssyncadd.s32 $0xFFFFFFFF  }
0xb8: {  	_ =	strace $0x90000048  }
0xb9: {  	_ =	sfence  }
0xba: {  	s30 =	sld [smem:$0x0];
	_ =	sdelay $0x2  }
0xbb: {  	s31 =	sshll.u32 s1, $0xD;
	s1 =	sshrl.u32 s1, $0x2  }
0xbc: {  	s3 =	sand.u32 $0x4000, s31;
	s1 =	sadd.s32 s1, s30  }
0xbd: {  	s0 =	sor.u32 s3, s0;
	s1 =	sshll.u32 s1, $0x11  }
0xbe: {  	s0 =	sor.u32 s1, s0  }
0xbf: {  	s0 =	sadd.s32 $0x8F2B, s0  }
0xc0: {  	[sflag:s0] =	ssyncadd.remote.s32 $0x1  }
0xc1: {  	_ =	sfence.sel $0xFFFF  }
0xc2: {  	[dreg:$0x0] =	wrdreg $0xFFFFFFFF;
	(pc) =	sbr.abs _section_cstart, $3  }
0xc3: {  	[dreg:$0x1] =	wrdreg $0xFFFFFFFF  }
0xc4: {  	_ =	task.clear_ibuf [dreg:s8], $0x2FFFF;
	_ =	strace $0x9FFFFFFF  }
0xc5: {  	(tm) =	ssettm $0x7FFFFFFF  }
tec
execute0_lowered:
.L_overlay_start_1:
0x0: {  	(tag) =	ssettag $0x1  }
0x1: {  	s1 =	rddreg [dreg:$0x0]  }
0x2: {  	s11 =	rddreg [dreg:$0x1]  }
0x3: {  	s0 =	rddreg [dreg:$0x2];
	s2 =	srdreg.scid  }
0x4: {  	s10 =	stileid.u32;
	s4 =	rddreg [dreg:$0x3]  }
0x5: {  	s5 =	simm.s32 $0x0;
	s29 =	simm.s32 $0x1BE80;
	s31 =	simm.s32 $0x80  }
0x6: {  	s28 =	simm.s32 $0x2;
	s30 =	simm.s32 $0x5;
	s9 =	smul.u32 $0x4E000, s10  }
0x7: {  	s2 =	sand.u32 $0x1, s2;
	s3 =	sshll.u32 s10, $0x1;
	s21 =	smul.u32 $0x13800, s10  }
0x8: {  	[smem:$0x7FF] =	sst s5;
	s0 =	sadd.s32 $0xA00, s0;
	s22 =	smul.u32 $0x9C00, s10  }
0x9: {  	p0 =	sne.s32 s10, $0xF;
	p1 =	sgt.u32 s10, $0x1;
	s18 =	smul.u32 $0x138800, s2  }
0xa: {  	s3 =	sor.u32 s2, s3;
	s7 =	ssub.s32 $0x2, s2;
	s2 =	smul.u32 $0x4E00, s2  }
0xb: {  	_ =	strace $0x80000047;
	s6 =	smul.u32 $0x4E00, s3;
	s8 =	sshrl.u32 s7, $0x1  }
0xc: {  	s20 =	sshrl.u32 s9, $0x2;
	s3 =	sshll.u32 s3, $0x5;
	s7 =	ssub.s32 s7, s8  }
0xd: {  	s15 =	sadd.s32 s20, s4;
	s3 =	sadd.s32 s3, s11;
	s9 =	sadd.s32 s21, s18  }
0xe: {  	s24 =	sshrl.u32 s18, $0x3;
	s2 =	sadd.s32 s2, s22;
	s6 =	sshrl.u32 s6, $0x3  }
0xf: {  	s13 =	sadd.s32 $0x13800, s3;
	s3 =	sadd.s32 $0x13810, s3;
	s23 =	sshrl.u32 s9, $0x3  }
0x10: {  	s25 =	sadd.s32 $0xB80, s2;
	s26 =	sadd.s32 $0xB00, s2;
	s9 =	smax.u32 s7, $0x1  }
0x11: {  	s14 =	sadd.s32 $0xA80, s2;
	s16 =	sadd.s32 $0xA00, s2;
	[dreg:$0x7] =	wrdreg s15  }
0x12: {  	s17 =	sadd.s32 $0x980, s2;
	s20 =	sadd.s32 $0x900, s2;
	[dreg:$0x8] =	wrdreg s13  }
0x13: {  	s21 =	sadd.s32 $0x880, s2;
	s22 =	sadd.s32 $0x800, s2;
	[dreg:$0x9] =	wrdreg s3  }
0x14: {  	s12 =	sadd.s32 s11, s6;
	s3 =	sadd.s32 s0, s23;
	[dreg:$0xc] =	wrdreg s9  }
0x15: {  	s0 =	sadd.s32 s0, s24;
	s8 =	sshrl.u32 s26, $0x3;
	[dreg:$0xa] =	wrdreg s3  }
0x16: {  	s6 =	sshrl.u32 s17, $0x3;
	s19 =	sadd.s32 $0x10, s12;
	[dreg:$0x5] =	wrdreg s12  }
0x17: {  	s24 =	sadd.s32 $0x780, s2;
	s0 =	sadd.s32 $0x27000, s0;
	[dreg:$0x6] =	wrdreg s19  }
0x18: {  	s26 =	sadd.s32 $0x680, s2;
	s13 =	sadd.s32 s8, s11;
	[dreg:$0xb] =	wrdreg s0  }
0x19: {  	s3 =	sshrl.u32 s25, $0x3;
	s7 =	sadd.s32 $0x20, s12;
	[dreg:$0xe] =	wrdreg s13  }
0x1a: {  	s25 =	sadd.s32 $0x700, s2;
	s8 =	sadd.s32 $0x30, s12;
	[dreg:$0x15] =	wrdreg s7  }
0x1b: {  	s9 =	sadd.s32 $0x40, s12;
	s10 =	sadd.s32 $0x50, s12;
	[dreg:$0x16] =	wrdreg s8  }
0x1c: {  	s17 =	sadd.s32 $0xA0, s12;
	s0 =	sadd.s32 s3, s11;
	[dreg:$0x17] =	wrdreg s9  }
0x1d: {  	s3 =	sshrl.u32 s16, $0x3;
	s19 =	sadd.s32 s6, s11;
	[dreg:$0x18] =	wrdreg s10  }
0x1e: {  	s6 =	sshrl.u32 s22, $0x3;
	s13 =	sadd.s32 $0x70, s12;
	[dreg:$0x1d] =	wrdreg s17  }
0x1f: {  	s16 =	sadd.s32 $0x90, s12;
	s17 =	sadd.s32 $0x138000, s4;
	[dreg:$0xd] =	wrdreg s0  }
0x20: {  	s8 =	simm.s32 $0x9;
	s7 =	simm.s32 $0x6;
	[dreg:$0x11] =	wrdreg s19  }
0x21: {  	s9 =	simm.s32 $0xC;
	s0 =	sshrl.u32 s14, $0x3;
	[dreg:$0x1a] =	wrdreg s13  }
0x22: {  	s18 =	sadd.s32 s3, s11;
	s3 =	sshrl.u32 s21, $0x3;
	[dreg:$0x1c] =	wrdreg s16  }
0x23: {  	s21 =	sadd.s32 s6, s11;
	s6 =	sshrl.u32 s26, $0x3;
	[smem:$0x7FD] =	sst s17  }
0x24: {  	s14 =	sadd.s32 $0x80, s12;
	s19 =	sadd.s32 $0x4000, s15;
	[dreg:$0x10] =	wrdreg s18  }
0x25: {  	s26 =	sadd.s32 $0x10000, s15;
	s16 =	simm.s32 $0x13880;
	[dreg:$0x1b] =	wrdreg s14  }
0x26: {  	s13 =	simm.s32 $0x4;
	s0 =	sadd.s32 s0, s11;
	[dreg:$0x1f] =	wrdreg s19  }
0x27: {  	s23 =	sadd.s32 s3, s11;
	s3 =	sshrl.u32 s25, $0x3;
	[smem:$0x7FC] =	sst s26  }
0x28: {  	s18 =	sadd.s32 $0xB0, s12;
	s25 =	sadd.s32 $0xC000, s15;
	[dreg:$0xf] =	wrdreg s0  }
0x29: {  	s26 =	simm.s32 $0x17E80;
	s19 =	simm.s32 $0x0;
	[dreg:$0x13] =	wrdreg s23  }
0x2a: {  	s0 =	sshrl.u32 s20, $0x3;
	s23 =	sadd.s32 s3, s11;
	[dreg:$0x1e] =	wrdreg s18  }
0x2b: {  	s20 =	sadd.s32 $0x8000, s15;
	[smem:$0x7FB] =	sst s25;
	s18 =	simm.s32 $0x13980  }
0x2c: {  	s25 =	simm.s32 $0x1;
	s0 =	sadd.s32 s0, s11;
	[smem:$0x7FA] =	sst s20  }
.Ltmp0:
0x2d: {  	s3 =	simm.s32 $0xB;
	[dreg:$0x12] =	wrdreg s0;
	(pc) =	sbr.rel .LBB2_1-.Ltmp0, $4  }
0x2e: {  	s0 =	sshrl.u32 s24, $0x3;
	s24 =	sadd.s32 s6, s11;
	s6 =	sadd.s32 $0x600, s2  }
0x2f: {  	s2 =	simm.s32 $0xA;
	s22 =	sadd.s32 s0, s11;
	[dreg:$0x14] =	wrdreg s6  }
0x30: {  	s11 =	sadd.s32 $0x60, s12;
	s12 =	simm.s32 $0x13D80;
	s6 =	simm.s32 $0x13E80  }
0x31: {  	v0 =	vimm.f32 $0.0e+00;
	s0 =	simm.s32 $0x3;
	[dreg:$0x19] =	wrdreg s11;
	s11 =	simm.s32 $0x13E00  }
.LBB2_6:
0x32: {  	s10 =	simm.s32 @!p1 $0x0;
	s14 =	simm.s32 @!p1 $0x13900;
	s15 =	rddreg [dreg:$0x8]  }
0x33: {  	[tilespmem:s14], [sflag:$0x7] =	stream.linear.gather @!p1 [hbm4b:s15+s10], $0x80, $0x38;
	[tilespmem:$0x1FE80] =	vst v63  }
0x34: {  	s16 =	rddreg [dreg:$0x9];
	s15 =	simm.s32 @!p1 $0x13880  }
0x35: {  	[tilespmem:s15], [sflag:$0x7] =	stream.linear.gather @!p1 [hbm4b:s16+s10], $0x80, $0x38;
	[tilespmem:$0x1FE80] =	vst v63  }
0x36: {  	s10 =	simm.s32 @!p1 $0x7  }
0x37: {  	_ =	swait.ge @!p1 [sflag:s10], $0x100  }
0x38: {  	[sflag:s10] =	ssyncset.done @!p1 $0x0  }
0x39: {  	s16 =	simm.s32 @!p1 $0x13E80;
	[sflag:s10] =	ssyncadd.s32 @!p1 $0xFFFFFF00;
	s10 =	simm.s32 @!p1 $0x80  }
0x3a: {  	[tilespmem:s16], [sflag:$0x1] =	stream.indirect.gather @!p1 [hbm4b:s1+s10], $0x80, s15, s10, $0xb8;
	[tilespmem:$0x1FE80] =	vst v63  }
0x3b: {  	s15 =	simm.s32 @!p1 $0x1  }
0x3c: {  	_ =	swait.ge @!p1 [sflag:s15], $0x4000  }
0x3d: {  	[sflag:s15] =	ssyncset.done @!p1 $0x0  }
0x3e: {  	[sflag:s15] =	ssyncadd.s32 @!p1 $0xFFFFC000  }
0x3f: {  	[spmem:s4] =	stream.indirect.scatter.add.f32 @!p1 [tilespmem:s16], [sflag:$0xD], $0x80, s14, s10, $0xb8;
	[tilespmem:$0x1FE80] =	vst v63  }
0x40: {  	s10 =	simm.s32 @!p1 $0xD  }
0x41: {  	_ =	swait.ge @!p1 [sflag:s10], $0x4000  }
0x42: {  	[sflag:s10] =	ssyncset.done @!p1 $0x0  }
0x43: {  	[sflag:s10] =	ssyncadd.s32 @!p1 $0xFFFFC000  }
0x44: {  	s16 =	stileid.u32;
	[bflag:$0x0] =	sbarrier.arrive $0xFFFF  }
0x45: {  	s19 =	simm.s32 $0xD;
	s10 =	sshll.u32 s16, $0x6;
	s15 =	rddreg [dreg:$0x7]  }
0x46: {  	s10 =	sor.u32 $0x1C0D, s10;
	s18 =	rddreg [dreg:$0xa];
	s17 =	sshrl.u32 s15, $0x3  }
0x47: {  	[hbm:s18], [sflag:s10] =	dma.local [spmem:s17], $0x2700  }
0x48: {  	_ =	swait.ge [sflag:s19], $0x2700  }
0x49: {  	s17 =	sld [smem:$0x7FD];
	_ =	sdelay $0x1  }
0x4a: {  	[sflag:s19] =	ssyncset.done $0x0  }
0x4b: {  	s16 =	rddreg [dreg:$0xb];
	[sflag:s19] =	ssyncadd.s32 $0xFFFFD900;
	s14 =	sshrl.u32 @!p0 s17, $0x3  }
0x4c: {  	[hbm:s16], [sflag:s10] =	dma.local @!p0 [spmem:s14], $0x100  }
0x4d: {  	s10 =	simm.s32 @!p0 $0xD  }
0x4e: {  	_ =	swait.ge @!p0 [sflag:s10], $0x100  }
0x4f: {  	s19 =	sld [smem:$0x7F9];
	_ =	sdelay $0x2  }
0x50: {  	s20 =	rddreg [dreg:$0xc];
	s19 =	sadd.s32 $0x1, s19  }
0x51: {  	p2 =	sne.s32 s19, s20  }
.Ltmp1:
0x52: {  	_ = 	snop;
	(pc) =	sbr.rel @!p2 .LBB2_7-.Ltmp1, $3  }
0x53: {  	_ =	sdelay $0x1  }
0x54: {  	[sflag:s10] =	ssyncset.done @!p0 $0x0  }
0x55: {  	s18 =	simm.s32 $0x13980;
	s16 =	simm.s32 $0x13880;
	[sflag:s10] =	ssyncadd.s32 @!p0 $0xFFFFFF00  }
.LBB2_1:
0x56: {  	[smem:$0x7F9] =	sst s19  }
0x57: {  	s10 =	rddreg [dreg:$0x5];
	s14 =	simm.s32 $0x13900  }
0x58: {  	[tilespmem:s14], [sflag:$0x7] =	stream.linear.gather [hbm4b:s10+s5], $0x80, $0x38;
	[tilespmem:$0x1FE80] =	vst v63  }
0x59: {  	s14 =	rddreg [dreg:$0x6]  }
0x5a: {  	[tilespmem:s16], [sflag:$0x7] =	stream.linear.gather [hbm4b:s14+s5], $0x80, $0x38;
	[tilespmem:$0x1FE80] =	vst v63  }
0x5b: {  	s19 =	rddreg [dreg:$0x15];
	s20 =	simm.s32 $0x13A00  }
0x5c: {  	[tilespmem:s20], [sflag:$0x8] =	stream.linear.gather [hbm4b:s19+s5], $0x80, $0x38;
	[tilespmem:$0x1FE80] =	vst v63  }
0x5d: {  	s14 =	rddreg [dreg:$0x16]  }
0x5e: {  	[tilespmem:s18], [sflag:$0x8] =	stream.linear.gather [hbm4b:s14+s5], $0x80, $0x38;
	[tilespmem:$0x1FE80] =	vst v63  }
0x5f: {  	s19 =	rddreg [dreg:$0x17];
	s20 =	simm.s32 $0x13B00  }
0x60: {  	[tilespmem:s20], [sflag:$0x9] =	stream.linear.gather [hbm4b:s19+s5], $0x80, $0x38;
	[tilespmem:$0x1FE80] =	vst v63  }
0x61: {  	s19 =	rddreg [dreg:$0x18];
	s20 =	simm.s32 $0x13A80  }
0x62: {  	[tilespmem:s20], [sflag:$0x9] =	stream.linear.gather [hbm4b:s19+s5], $0x80, $0x38;
	[tilespmem:$0x1FE80] =	vst v63  }
0x63: {  	s19 =	rddreg [dreg:$0x19];
	s20 =	simm.s32 $0x13C00  }
0x64: {  	[tilespmem:s20], [sflag:$0xA] =	stream.linear.gather [hbm4b:s19+s5], $0x80, $0x38;
	[tilespmem:$0x1FE80] =	vst v63  }
0x65: {  	s19 =	rddreg [dreg:$0x1a];
	s20 =	simm.s32 $0x13B80  }
0x66: {  	[tilespmem:s20], [sflag:$0xA] =	stream.linear.gather [hbm4b:s19+s5], $0x80, $0x38;
	[tilespmem:$0x1FE80] =	vst v63  }
0x67: {  	s19 =	rddreg [dreg:$0x1b];
	s20 =	simm.s32 $0x13D00  }
0x68: {  	[tilespmem:s20], [sflag:$0xB] =	stream.linear.gather [hbm4b:s19+s5], $0x80, $0x38;
	[tilespmem:$0x1FE80] =	vst v63  }
0x69: {  	s19 =	rddreg [dreg:$0x1c];
	s20 =	simm.s32 $0x13C80  }
0x6a: {  	[tilespmem:s20], [sflag:$0xB] =	stream.linear.gather [hbm4b:s19+s5], $0x80, $0x38;
	[tilespmem:$0x1FE80] =	vst v63  }
0x6b: {  	s19 =	rddreg [dreg:$0x1d]  }
0x6c: {  	[tilespmem:s11], [sflag:$0xC] =	stream.linear.gather [hbm4b:s19+s5], $0x80, $0x38;
	[tilespmem:$0x1FE80] =	vst v63  }
0x6d: {  	s10 =	simm.s32 $0x0;
	s14 =	simm.s32 $0x200;
	s20 =	rddreg [dreg:$0x1e]  }
0x6e: {  	[tilespmem:s12], [sflag:$0xC] =	stream.linear.gather [hbm4b:s20+s5], $0x80, $0x38;
	[tilespmem:$0x1FE80] =	vst v63  }
.LBB2_2:
0x6f: {  	p2 =	sne.s32 s14, $0xFE00;
	[tilespmem:s10+$0x1BEF0] =	vst v0  }
0x70: {  	[tilespmem:s10+$0x1BE80] =	vst v0  }
0x71: {  	[tilespmem:s10+$0x1BE90] =	vst v0  }
.Ltmp2:
0x72: {  	[tilespmem:s10+$0x1BEA0] =	vst v0;
	(pc) =	sbr.rel @p2 .LBB2_2-.Ltmp2, $4  }
0x73: {  	[tilespmem:s10+$0x1BEB0] =	vst v0  }
0x74: {  	[tilespmem:s10+$0x1BEC0] =	vst v0  }
0x75: {  	[tilespmem:s10+$0x1BED0] =	vst v0  }
0x76: {  	[tilespmem:s10+$0x1BEE0] =	vst v0;
	s10 =	sshra.s32 s14, $0x2;
	s14 =	sadd.s32 $0x200, s14  }
0x77: {  	[tilespmem:s10+$0x1BEF0] =	vst v0  }
0x78: {  	[tilespmem:s10+$0x1BE80] =	vst v0  }
0x79: {  	[tilespmem:s10+$0x1BE90] =	vst v0  }
0x7a: {  	[tilespmem:s10+$0x1BEA0] =	vst v0  }
0x7b: {  	[tilespmem:s10+$0x1BEB0] =	vst v0  }
0x7c: {  	[tilespmem:s10+$0x1BEC0] =	vst v0  }
0x7d: {  	[tilespmem:s10+$0x1BED0] =	vst v0  }
0x7e: {  	[tilespmem:s10+$0x1BEE0] =	vst v0;
	s19 =	rddreg [dreg:$0x1f]  }
0x7f: {  	[spmem:s15] =	stream.linear.scatter [tilespmem:s29], [sflag:$0x4], $0x4000, $0x38;
	[tilespmem:$0x1FE80] =	vst v63  }
0x80: {  	s20 =	sld [smem:$0x7FA]  }
0x81: {  	[spmem:s19] =	stream.linear.scatter [tilespmem:s29], [sflag:$0x4], $0x4000, $0x38;
	[tilespmem:$0x1FE80] =	vst v63  }
0x82: {  	s14 =	sld [smem:$0x7FB]  }
0x83: {  	[spmem:s20] =	stream.linear.scatter [tilespmem:s29], [sflag:$0x4], $0x4000, $0x38;
	[tilespmem:$0x1FE80] =	vst v63  }
0x84: {  	s15 =	sld [smem:$0x7FC]  }
0x85: {  	[spmem:s14] =	stream.linear.scatter [tilespmem:s29], [sflag:$0x4], $0x4000, $0x38;
	[tilespmem:$0x1FE80] =	vst v63  }
0x86: {  	_ = 	snop  }
0x87: {  	[spmem:s15] =	stream.linear.scatter [tilespmem:s29], [sflag:$0x4], $0x3800, $0x38;
	[tilespmem:$0x1FE80] =	vst v63  }
0x88: {  	s10 =	simm.s32 @!p0 $0x1BE80  }
0x89: {  	[spmem:s17] =	stream.linear.scatter @!p0 [tilespmem:s10], [sflag:$0x4], $0x800, $0x38;
	[tilespmem:$0x1FE80] =	vst v63  }
0x8a: {  	_ =	swait.ge [sflag:s13], $0x4000  }
0x8b: {  	[sflag:s13] =	ssyncset.done $0x0  }
0x8c: {  	[sflag:s13] =	ssyncadd.s32 $0xFFFFC000  }
0x8d: {  	_ =	swait.ge [sflag:s13], $0x4000  }
0x8e: {  	[sflag:s13] =	ssyncset.done $0x0  }
0x8f: {  	[sflag:s13] =	ssyncadd.s32 $0xFFFFC000  }
0x90: {  	_ =	swait.ge [sflag:s13], $0x4000  }
0x91: {  	[sflag:s13] =	ssyncset.done $0x0  }
0x92: {  	[sflag:s13] =	ssyncadd.s32 $0xFFFFC000  }
0x93: {  	_ =	swait.ge [sflag:s13], $0x4000  }
0x94: {  	[sflag:s13] =	ssyncset.done $0x0  }
0x95: {  	[sflag:s13] =	ssyncadd.s32 $0xFFFFC000  }
0x96: {  	_ =	swait.ge [sflag:s13], $0x3800  }
0x97: {  	[sflag:s13] =	ssyncset.done $0x0  }
0x98: {  	s10 =	simm.s32 @!p0 $0x4;
	[sflag:s13] =	ssyncadd.s32 $0xFFFFC800  }
0x99: {  	_ =	swait.ge @!p0 [sflag:s10], $0x800  }
0x9a: {  	[sflag:s10] =	ssyncset.done @!p0 $0x0  }
0x9b: {  	s17 =	simm.s32 $0x7;
	[sflag:s10] =	ssyncadd.s32 @!p0 $0xFFFFF800  }
0x9c: {  	_ =	swait.ge [sflag:s17], $0x100  }
0x9d: {  	[sflag:s17] =	ssyncset.done $0x0  }
0x9e: {  	s19 =	simm.s32 $0x8;
	[sflag:s17] =	ssyncadd.s32 $0xFFFFFF00  }
0x9f: {  	[tilespmem:s6], [sflag:$0x1] =	stream.indirect.gather [hbm4b:s1+s31], $0x80, s16, s31, $0xb8;
	[tilespmem:$0x1FE80] =	vst v63  }
0xa0: {  	_ =	swait.ge [sflag:s19], $0x100  }
0xa1: {  	[sflag:s19] =	ssyncset.done $0x0  }
0xa2: {  	[sflag:s19] =	ssyncadd.s32 $0xFFFFFF00  }
0xa3: {  	[tilespmem:s26], [sflag:$0x2] =	stream.indirect.gather [hbm4b:s1+s31], $0x80, s18, s31, $0xb8;
	[tilespmem:$0x1FE80] =	vst v63  }
0xa4: {  	_ =	swait.ge [sflag:s8], $0x100  }
0xa5: {  	[sflag:s8] =	ssyncset.done $0x0  }
0xa6: {  	s20 =	simm.s32 $0x13A80;
	[sflag:s8] =	ssyncadd.s32 $0xFFFFFF00  }
0xa7: {  	[tilespmem:s29], [sflag:$0x3] =	stream.indirect.gather [hbm4b:s1+s31], $0x80, s20, s31, $0xb8;
	[tilespmem:$0x1FE80] =	vst v63  }
0xa8: {  	[bflag:$0x0] =	sbarrier.arrive $0xFFFF  }
0xa9: {  	s10 =	simm.s32 $0x0;
	s14 =	rddreg [dreg:$0x14]  }
.LBB2_4:
0xaa: {  	_ =	swait.ge [sflag:s25], $0x4000  }
0xab: {  	[sflag:s25] =	ssyncset.done $0x0  }
0xac: {  	s15 =	simm.s32 $0x13900;
	[sflag:s25] =	ssyncadd.s32 $0xFFFFC000  }
0xad: {  	[spmem:s4] =	stream.indirect.scatter.add.f32 [tilespmem:s6], [sflag:$0x4], $0x80, s15, s31, $0xb8;
	[tilespmem:$0x1FE80] =	vst v63  }
0xae: {  	_ =	swait.ge [sflag:s13], $0x4000  }
0xaf: {  	[sflag:s13] =	ssyncset.done $0x0  }
0xb0: {  	p2 =	seq.s32 s10, $0x900;
	[sflag:s13] =	ssyncadd.s32 $0xFFFFC000  }
0xb1: {  	s15 =	sshrl.u32 @!p2 s14, $0x3;
	s16 =	rddreg [dreg:$0x1]  }
0xb2: {  	s17 =	simm.s32 @!p2 $0x13900;
	s16 =	sadd.s32 @!p2 s16, s15;
	s15 =	simm.s32 @!p2 $0x0  }
0xb3: {  	[tilespmem:s17], [sflag:$0x7] =	stream.linear.gather @!p2 [hbm4b:s16+s15], $0x80, $0x38;
	[tilespmem:$0x1FE80] =	vst v63  }
0xb4: {  	s16 =	sadd.s32 @!p2 s10, s24;
	s17 =	simm.s32 @!p2 $0x13880  }
0xb5: {  	[tilespmem:s17], [sflag:$0x7] =	stream.linear.gather @!p2 [hbm4b:s16+s15], $0x80, $0x38;
	[tilespmem:$0x1FE80] =	vst v63  }
0xb6: {  	_ =	swait.ge [sflag:s2], $0x100  }
0xb7: {  	[sflag:s2] =	ssyncset.done $0x0  }
0xb8: {  	s18 =	simm.s32 $0x13B80;
	[sflag:s2] =	ssyncadd.s32 $0xFFFFFF00  }
0xb9: {  	[tilespmem:s6], [sflag:$0x1] =	stream.indirect.gather [hbm4b:s1+s31], $0x80, s18, s31, $0xb8;
	[tilespmem:$0x1FE80] =	vst v63  }
0xba: {  	_ =	swait.ge [sflag:s28], $0x4000  }
0xbb: {  	[sflag:s28] =	ssyncset.done $0x0  }
0xbc: {  	s19 =	simm.s32 $0x13A00;
	[sflag:s28] =	ssyncadd.s32 $0xFFFFC000  }
0xbd: {  	[spmem:s4] =	stream.indirect.scatter.add.f32 [tilespmem:s26], [sflag:$0x5], $0x80, s19, s31, $0xb8;
	[tilespmem:$0x1FE80] =	vst v63  }
0xbe: {  	_ =	swait.ge [sflag:s30], $0x4000  }
0xbf: {  	[sflag:s30] =	ssyncset.done $0x0  }
0xc0: {  	s16 =	sadd.s32 @!p2 s10, s23;
	s18 =	simm.s32 @!p2 $0x13A00;
	[sflag:s30] =	ssyncadd.s32 $0xFFFFC000  }
0xc1: {  	[tilespmem:s18], [sflag:$0x8] =	stream.linear.gather @!p2 [hbm4b:s16+s15], $0x80, $0x38;
	[tilespmem:$0x1FE80] =	vst v63  }
0xc2: {  	s18 =	sadd.s32 @!p2 s10, s22;
	s16 =	simm.s32 @!p2 $0x13980  }
0xc3: {  	[tilespmem:s16], [sflag:$0x8] =	stream.linear.gather @!p2 [hbm4b:s18+s15], $0x80, $0x38;
	[tilespmem:$0x1FE80] =	vst v63  }
0xc4: {  	_ =	swait.ge [sflag:s3], $0x100  }
0xc5: {  	[sflag:s3] =	ssyncset.done $0x0  }
0xc6: {  	s20 =	simm.s32 $0x13C80;
	[sflag:s3] =	ssyncadd.s32 $0xFFFFFF00  }
0xc7: {  	[tilespmem:s26], [sflag:$0x2] =	stream.indirect.gather [hbm4b:s1+s31], $0x80, s20, s31, $0xb8;
	[tilespmem:$0x1FE80] =	vst v63  }
0xc8: {  	_ =	swait.ge [sflag:s0], $0x4000  }
0xc9: {  	[sflag:s0] =	ssyncset.done $0x0  }
0xca: {  	s19 =	simm.s32 $0x13B00;
	[sflag:s0] =	ssyncadd.s32 $0xFFFFC000  }
0xcb: {  	[spmem:s4] =	stream.indirect.scatter.add.f32 [tilespmem:s29], [sflag:$0x6], $0x80, s19, s31, $0xb8;
	[tilespmem:$0x1FE80] =	vst v63  }
0xcc: {  	_ =	swait.ge [sflag:s7], $0x4000  }
0xcd: {  	[sflag:s7] =	ssyncset.done $0x0  }
0xce: {  	s18 =	sadd.s32 @!p2 s10, s21;
	s19 =	simm.s32 @!p2 $0x13B00;
	[sflag:s7] =	ssyncadd.s32 $0xFFFFC000  }
0xcf: {  	[tilespmem:s19], [sflag:$0x9] =	stream.linear.gather @!p2 [hbm4b:s18+s15], $0x80, $0x38;
	[tilespmem:$0x1FE80] =	vst v63  }
0xd0: {  	s18 =	rddreg [dreg:$0x13]  }
0xd1: {  	s19 =	simm.s32 @!p2 $0x13A80;
	s18 =	sadd.s32 @!p2 s10, s18  }
0xd2: {  	[tilespmem:s19], [sflag:$0x9] =	stream.linear.gather @!p2 [hbm4b:s18+s15], $0x80, $0x38;
	[tilespmem:$0x1FE80] =	vst v63  }
0xd3: {  	_ =	swait.ge [sflag:s9], $0x100  }
0xd4: {  	[sflag:s9] =	ssyncset.done $0x0  }
0xd5: {  	[sflag:s9] =	ssyncadd.s32 $0xFFFFFF00  }
0xd6: {  	[tilespmem:s29], [sflag:$0x3] =	stream.indirect.gather [hbm4b:s1+s31], $0x80, s12, s31, $0xb8;
	[tilespmem:$0x1FE80] =	vst v63  }
0xd7: {  	_ =	swait.ge [sflag:s25], $0x4000  }
0xd8: {  	[sflag:s25] =	ssyncset.done $0x0  }
0xd9: {  	s20 =	simm.s32 $0x13C00;
	[sflag:s25] =	ssyncadd.s32 $0xFFFFC000  }
0xda: {  	[spmem:s4] =	stream.indirect.scatter.add.f32 [tilespmem:s6], [sflag:$0x4], $0x80, s20, s31, $0xb8;
	[tilespmem:$0x1FE80] =	vst v63  }
0xdb: {  	_ =	swait.ge [sflag:s13], $0x4000  }
0xdc: {  	[sflag:s13] =	ssyncset.done $0x0  }
0xdd: {  	s18 =	simm.s32 @p2 $0x2;
	[sflag:s13] =	ssyncadd.s32 $0xFFFFC000  }
0xde: {  	_ =	swait.ge @p2 [sflag:s18], $0x4000  }
0xdf: {  	s19 =	simm.s32 @p2 $0x13D00;
	[sflag:s18] =	ssyncset.done @p2 $0x0  }
0xe0: {  	s20 =	simm.s32 @p2 $0x17E80;
	[sflag:s18] =	ssyncadd.s32 @p2 $0xFFFFC000;
	s18 =	simm.s32 @p2 $0x80  }
0xe1: {  	[spmem:s4] =	stream.indirect.scatter.add.f32 @p2 [tilespmem:s20], [sflag:$0x5], $0x80, s19, s18, $0xb8;
	[tilespmem:$0x1FE80] =	vst v63  }
0xe2: {  	s18 =	simm.s32 @p2 $0x5  }
0xe3: {  	_ =	swait.ge @p2 [sflag:s18], $0x4000  }
0xe4: {  	[sflag:s18] =	ssyncset.done @p2 $0x0  }
0xe5: {  	[sflag:s18] =	ssyncadd.s32 @p2 $0xFFFFC000;
	s18 =	rddreg [dreg:$0x12]  }
0xe6: {  	s19 =	simm.s32 @!p2 $0x13C00;
	s18 =	sadd.s32 @!p2 s10, s18  }
0xe7: {  	[tilespmem:s19], [sflag:$0xA] =	stream.linear.gather @!p2 [hbm4b:s18+s15], $0x80, $0x38;
	[tilespmem:$0x1FE80] =	vst v63  }
0xe8: {  	s18 =	rddreg [dreg:$0x11]  }
0xe9: {  	s19 =	simm.s32 @!p2 $0x13B80;
	s18 =	sadd.s32 @!p2 s10, s18  }
0xea: {  	[tilespmem:s19], [sflag:$0xA] =	stream.linear.gather @!p2 [hbm4b:s18+s15], $0x80, $0x38;
	[tilespmem:$0x1FE80] =	vst v63  }
0xeb: {  	s18 =	simm.s32 @!p2 $0x7  }
0xec: {  	_ =	swait.ge @!p2 [sflag:s18], $0x100  }
0xed: {  	[sflag:s18] =	ssyncset.done @!p2 $0x0  }
0xee: {  	s19 =	simm.s32 @!p2 $0x13E80;
	[sflag:s18] =	ssyncadd.s32 @!p2 $0xFFFFFF00;
	s18 =	simm.s32 @!p2 $0x80  }
0xef: {  	[tilespmem:s19], [sflag:$0x1] =	stream.indirect.gather @!p2 [hbm4b:s1+s18], $0x80, s17, s18, $0xb8;
	[tilespmem:$0x1FE80] =	vst v63  }
0xf0: {  	s17 =	simm.s32 @!p2 $0x2  }
0xf1: {  	_ =	swait.ge @!p2 [sflag:s17], $0x4000  }
0xf2: {  	s20 =	simm.s32 @!p2 $0x5;
	[sflag:s17] =	ssyncset.done @!p2 $0x0  }
0xf3: {  	s19 =	simm.s32 @!p2 $0x17E80;
	[sflag:s17] =	ssyncadd.s32 @!p2 $0xFFFFC000;
	s17 =	simm.s32 @!p2 $0x13D00  }
0xf4: {  	[spmem:s4] =	stream.indirect.scatter.add.f32 @!p2 [tilespmem:s19], [sflag:$0x5], $0x80, s17, s18, $0xb8;
	[tilespmem:$0x1FE80] =	vst v63  }
0xf5: {  	_ =	swait.ge @!p2 [sflag:s20], $0x4000  }
0xf6: {  	[sflag:s20] =	ssyncset.done @!p2 $0x0  }
0xf7: {  	[sflag:s20] =	ssyncadd.s32 @!p2 $0xFFFFC000;
	s20 =	rddreg [dreg:$0x10]  }
0xf8: {  	s20 =	sadd.s32 @!p2 s10, s20  }
0xf9: {  	[tilespmem:s17], [sflag:$0xB] =	stream.linear.gather @!p2 [hbm4b:s20+s15], $0x80, $0x38;
	[tilespmem:$0x1FE80] =	vst v63  }
0xfa: {  	s17 =	rddreg [dreg:$0xf]  }
0xfb: {  	s20 =	simm.s32 @!p2 $0x13C80;
	s17 =	sadd.s32 @!p2 s10, s17  }
0xfc: {  	[tilespmem:s20], [sflag:$0xB] =	stream.linear.gather @!p2 [hbm4b:s17+s15], $0x80, $0x38;
	[tilespmem:$0x1FE80] =	vst v63  }
0xfd: {  	s15 =	simm.s32 @!p2 $0x8  }
0xfe: {  	_ =	swait.ge @!p2 [sflag:s15], $0x100  }
0xff: {  	[sflag:s15] =	ssyncset.done @!p2 $0x0  }
0x100: {  	[sflag:s15] =	ssyncadd.s32 @!p2 $0xFFFFFF00  }
0x101: {  	[tilespmem:s19], [sflag:$0x2] =	stream.indirect.gather @!p2 [hbm4b:s1+s18], $0x80, s16, s18, $0xb8;
	[tilespmem:$0x1FE80] =	vst v63  }
0x102: {  	_ =	swait.ge [sflag:s0], $0x4000  }
0x103: {  	[sflag:s0] =	ssyncset.done $0x0  }
.Ltmp3:
0x104: {  	[sflag:s0] =	ssyncadd.s32 $0xFFFFC000;
	(pc) =	sbr.rel @p2 .LBB2_6-.Ltmp3, $4  }
0x105: {  	[spmem:s4] =	stream.indirect.scatter.add.f32 [tilespmem:s29], [sflag:$0x6], $0x80, s11, s31, $0xb8;
	[tilespmem:$0x1FE80] =	vst v63  }
0x106: {  	_ =	swait.ge [sflag:s7], $0x4000  }
0x107: {  	[sflag:s7] =	ssyncset.done $0x0  }
0x108: {  	[sflag:s7] =	ssyncadd.s32 $0xFFFFC000  }
0x109: {  	s15 =	rddreg [dreg:$0xe]  }
0x10a: {  	s19 =	rddreg [dreg:$0xd];
	s15 =	sadd.s32 s10, s15  }
0x10b: {  	[tilespmem:s11], [sflag:$0xC] =	stream.linear.gather [hbm4b:s15+s5], $0x80, $0x38;
	[tilespmem:$0x1FE80] =	vst v63  }
0x10c: {  	s15 =	sadd.s32 s10, s19  }
0x10d: {  	[tilespmem:s12], [sflag:$0xC] =	stream.linear.gather [hbm4b:s15+s5], $0x80, $0x38;
	[tilespmem:$0x1FE80] =	vst v63  }
.Ltmp4:
0x10e: {  	_ = 	snop;
	(pc) =	sbr.rel .LBB2_4-.Ltmp4, $4  }
0x10f: {  	_ =	swait.ge [sflag:s8], $0x100  }
0x110: {  	s20 =	simm.s32 $0x13A80;
	[sflag:s8] =	ssyncset.done $0x0  }
0x111: {  	s14 =	sadd.s32 $0x600, s14;
	s10 =	sadd.s32 $0xC0, s10;
	[sflag:s8] =	ssyncadd.s32 $0xFFFFFF00  }
0x112: {  	[tilespmem:s29], [sflag:$0x3] =	stream.indirect.gather [hbm4b:s1+s31], $0x80, s20, s31, $0xb8;
	[tilespmem:$0x1FE80] =	vst v63  }
.LBB2_7:
0x113: {  	_ =	sfence.sel $0x180000  }
0x114: {  	[bflag:$0x0] =	sbarrier.arrive $0xFFFF  }
0x115: {  	_ =	strace $0x90000047  }
0x116: {  	s0 =	stileid.u32;
	[bflag:$0x2] =	sbarrier.arrive $0xFFFF  }
0x117: {  	p0 =	sne.s32 s0, $0x0;
	s0 =	rddreg [dreg:$0x4]  }
0x118: {  	s0 =	sadd.s32 @!p0 $0x100000, s0  }
0x119: {  	[sflag:s0] =	ssyncadd.tile.s32 @!p0 $0x1;
	_ =	shalt  }
.Lfunc_end2:
_tile_overlayer_lowered:
.L_overlay_start_2:
0x11a: {  	(tag) =	ssettag $0x2  }
0x11b: {  	s0 =	rddreg [dreg:$0x0];
	s2 =	stileid.u32  }
0x11c: {  	s1 =	rddreg [dreg:$0x1];
	p0 =	sne.s32 s2, $0x0  }
0x11d: {  	s3 =	rddreg [dreg:$0x2];
	[bflag:$0x3] =	sbarrier.arrive $0xFFFF;
	s2 =	simm.s32 @!p0 $0x1C0D  }
0x11e: {  	[timem:s3], [sflag:s2] =	dma.local @!p0 [hbm:s0], s1  }
0x11f: {  	s0 =	simm.s32 @!p0 $0xD  }
0x120: {  	_ =	swait.ge @!p0 [sflag:s0], s1  }
0x121: {  	s1 =	ssub.s32 @!p0 $0x0, s1;
	[sflag:s0] =	ssyncset.done @!p0 $0x0  }
0x122: {  	[sflag:s0] =	ssyncadd.s32 @!p0 s1  }
0x123: {  	[bflag:$0x3] =	sbarrier.arrive $0xFFFF  }
0x124: {  	_ =	shalt  }

</sc_bundles>
